<compile_context>
chip_gen: v7x
topology: tpu7x:2x2x1
jax: 0.10.2.dev20260603
libtpu: 0.0.44.dev20260713+nightly
codegen_flags: <defaults>
</compile_context>

<pallas_src>
import functools
import math

import jax
import jax.numpy as jnp
from jax import lax
from jax.experimental import pallas as pl
from jax.experimental.pallas import tpu as pltpu
from jax.experimental.pallas import tpu_sc as plsc

N = 10000
E = 320000
D = 128
ALPHA = 0.2
BETA1 = math.log(2.0)
BETA2 = math.log(1.5)

NC = 2
NS = 16
NW = NC * NS
EPW = E // NW
NP = 10240
C = 80
CH = EPW // C
RPT = NP // NS
NBUF = 1
DW = 128
CDEG = 80
CHDEG = EPW // CDEG

_MAIN = (CH - NBUF) // NBUF

_mesh = plsc.VectorSubcoreMesh(core_axis_name="c", subcore_axis_name="s")


@functools.partial(
    pl.kernel,
    mesh=_mesh,
    out_type=jax.ShapeDtypeStruct((NC, NP, D), jnp.float32),
    scratch_types=[
        pltpu.VMEM((CH, C), jnp.int32),
        pltpu.VMEM((CH, C), jnp.int32),
    ] + [pltpu.VMEM((C, D), jnp.float32)] * NBUF + [
        pltpu.VMEM_SHARED((NP, D), jnp.float32),
    ] + [pltpu.SemaphoreType.DMA] * NBUF,
)
def _sc_segsum(h_hbm, src_hbm, dst_hbm, zeros_hbm, out_hbm,
               sidx, didx, r0buf, acc, sem0):
    rows = (r0buf,)
    sems = (sem0,)
    cid = lax.axis_index("c")
    sid = lax.axis_index("s")
    wid = cid * NS + sid
    r0 = sid * RPT
    pltpu.sync_copy(zeros_hbm, acc.at[pl.ds(r0, RPT)])
    pltpu.sync_copy(src_hbm.at[wid], sidx)
    pltpu.sync_copy(dst_hbm.at[wid], didx)
    plsc.subcore_barrier()

    def soff(j):
        return sidx.at[j]

    def doff(j):
        return didx.at[j]

    for b in range(NBUF):
        pltpu.async_copy(h_hbm.at[soff(b)], rows[b], sems[b])

    def ring(i, carry):
        j0 = i * NBUF
        for b in range(NBUF):
            j = j0 + b
            pltpu.make_async_copy(h_hbm.at[soff(j)], rows[b], sems[b]).wait()
            pltpu.sync_copy(rows[b], acc.at[doff(j)], add=True)
            pltpu.async_copy(h_hbm.at[soff(j + NBUF)], rows[b], sems[b])
        return carry

    lax.fori_loop(0, _MAIN, ring, 0)
    for j in range(_MAIN * NBUF, CH):
        b = j % NBUF
        pltpu.make_async_copy(h_hbm.at[soff(j)], rows[b], sems[b]).wait()
        pltpu.sync_copy(rows[b], acc.at[doff(j)], add=True)
        if j + NBUF < CH:
            pltpu.async_copy(h_hbm.at[soff(j + NBUF)], rows[b], sems[b])

    plsc.subcore_barrier()
    pltpu.sync_copy(acc.at[pl.ds(r0, RPT)], out_hbm.at[cid].at[pl.ds(r0, RPT)])


RB = 1000


def _scales(cnt_ref):
    deg = jnp.maximum(cnt_ref[0, :, 0] + cnt_ref[1, :, 0], 1.0)
    return lax.rsqrt(deg)[:, None]


def _tc1_body(feat_ref, w1_ref, b1_ref, cs_ref, x0_ref, h1_ref):
    x0 = lax.dot_general(feat_ref[...], w1_ref[...],
                         (((1,), (1,)), ((), ())),
                         preferred_element_type=jnp.float32)
    x0 = jnp.maximum(x0 + b1_ref[...], 0.0)
    x0_ref[...] = x0
    h1_ref[...] = x0 * _scales(cs_ref)


def _tc2_body(p_ref, x0_ref, cs_ref, cd_ref, w_ref, b_ref, h2_ref):
    agg = (p_ref[0] + p_ref[1]) * _scales(cd_ref)
    t = (1.0 - ALPHA) * agg + ALPHA * x0_ref[...]
    u = (1.0 - BETA1) * t + BETA1 * lax.dot_general(
        t, w_ref[...], (((1,), (0,)), ((), ())),
        preferred_element_type=jnp.float32)
    x1 = jnp.maximum(u + b_ref[...], 0.0)
    h2_ref[...] = x1 * _scales(cs_ref)


def _tc3_body(p_ref, x0_ref, cd_ref, w_ref, b_ref, w2_ref, b2_ref, out_ref):
    agg = (p_ref[0] + p_ref[1]) * _scales(cd_ref)
    t = (1.0 - ALPHA) * agg + ALPHA * x0_ref[...]
    u = (1.0 - BETA2) * t + BETA2 * lax.dot_general(
        t, w_ref[...], (((1,), (0,)), ((), ())),
        preferred_element_type=jnp.float32)
    u = u + b_ref[...]
    out = lax.dot_general(u, w2_ref[...], (((1,), (1,)), ((), ())),
                          preferred_element_type=jnp.float32)
    out_ref[...] = out + b2_ref[...]


_row_spec = pl.BlockSpec((RB, D), lambda i: (i, 0))
_mat_spec = pl.BlockSpec((D, D), lambda i: (0, 0))
_vec_spec = pl.BlockSpec((1, D), lambda i: (0, 0))
_cnt_spec = pl.BlockSpec((NC, RB, DW), lambda i: (0, i, 0))
_par_spec = pl.BlockSpec((NC, RB, D), lambda i: (0, i, 0))
_GRID = (N // RB,)


def _tc1(feat, w1, b1, cs):
    return pl.pallas_call(
        _tc1_body,
        grid=_GRID,
        in_specs=[_row_spec, _mat_spec, _vec_spec, _cnt_spec],
        out_specs=[_row_spec, _row_spec],
        out_shape=[jax.ShapeDtypeStruct((N, D), jnp.float32)] * 2,
    )(feat, w1, b1, cs)


def _tc2(p, x0, cs, cd, w, b):
    return pl.pallas_call(
        _tc2_body,
        grid=_GRID,
        in_specs=[_par_spec, _row_spec, _cnt_spec, _cnt_spec, _mat_spec,
                  _vec_spec],
        out_specs=_row_spec,
        out_shape=jax.ShapeDtypeStruct((N, D), jnp.float32),
    )(p, x0, cs, cd, w, b)


def _tc3(p, x0, cd, w, b, w2, b2):
    return pl.pallas_call(
        _tc3_body,
        grid=_GRID,
        in_specs=[_par_spec, _row_spec, _cnt_spec, _mat_spec, _vec_spec,
                  _mat_spec, _vec_spec],
        out_specs=_row_spec,
        out_shape=jax.ShapeDtypeStruct((N, D), jnp.float32),
    )(p, x0, cd, w, b, w2, b2)


def kernel(feat, edge_index, W_fc1, b_fc1, W_c1, b_c1, W_c2, b_c2, W_fc2, b_fc2):
    src = edge_index[0].astype(jnp.int32).reshape(NW, CH, C)
    dst = edge_index[1].astype(jnp.int32).reshape(NW, CH, C)
    zrows = jnp.zeros((RPT, D), jnp.float32)
    ones_t = jnp.ones((N, D), jnp.float32)

    cs = _sc_segsum(ones_t, src, src, zrows)
    cd = _sc_segsum(ones_t, dst, dst, zrows)
    x0, h1 = _tc1(feat, W_fc1, b_fc1.reshape(1, D), cs)
    p1 = _sc_segsum(h1, src, dst, zrows)
    h2 = _tc2(p1, x0, cs, cd, W_c1, b_c1.reshape(1, D))
    p2 = _sc_segsum(h2, src, dst, zrows)
    return _tc3(p2, x0, cd, W_c2, b_c2.reshape(1, D), W_fc2, b_fc2.reshape(1, D))

# --- scband reference (transcript-rebuilt; emitter-appended) ---
"""Pipeline reference for scband-two-layer-gcnii-20710332301833 (READ-ONLY COPY).

The authoritative reference and input builder live on the scoring server;
editing this copy changes nothing except your own understanding.
"""

import jax, jax.numpy as jnp
import numpy as np

N = 10000
E = 320000
D = 128
ALPHA = 0.2
BETA1 = float(np.log(1.0 / 1 + 1.0))  # layer=1, lambda=1.0
BETA2 = float(np.log(1.0 / 2 + 1.0))  # layer=2, lambda=1.0


def setup_inputs(seed: int = 0) -> dict:
    key = jax.random.key(seed)
    ks = jax.random.split(key, 10)
    feat = jax.random.normal(ks[0], (N, D), dtype=jnp.float32)
    edge_index = jax.random.randint(ks[1], (2, E), 0, N)
    s = 1.0 / np.sqrt(D)
    W_fc1 = jax.random.uniform(ks[2], (D, D), jnp.float32, -s, s)
    b_fc1 = jax.random.uniform(ks[3], (D,), jnp.float32, -s, s)
    W_c1 = jax.random.normal(ks[4], (D, D), dtype=jnp.float32) * s
    b_c1 = jnp.zeros((D,), jnp.float32)
    W_c2 = jax.random.normal(ks[5], (D, D), dtype=jnp.float32) * s
    b_c2 = jnp.zeros((D,), jnp.float32)
    W_fc2 = jax.random.uniform(ks[6], (D, D), jnp.float32, -s, s)
    b_fc2 = jax.random.uniform(ks[7], (D,), jnp.float32, -s, s)
    return {"feat": feat, "edge_index": edge_index, "W_fc1": W_fc1, "b_fc1": b_fc1,
            "W_c1": W_c1, "b_c1": b_c1, "W_c2": W_c2, "b_c2": b_c2,
            "W_fc2": W_fc2, "b_fc2": b_fc2}


def gcn2conv(src, dst, feat, feat0, weight, bias, alpha, beta):
    # DGL GCN2Conv with project_initial_features=True, allow_zero_in_degree=True
    n = feat.shape[0]
    deg_out = jnp.clip(jnp.bincount(src, length=n), 1).astype(feat.dtype)
    h = feat * jnp.power(deg_out, -0.5)[:, None]
    agg = jax.ops.segment_sum(h[src], dst, num_segments=n)
    deg_in = jnp.clip(jnp.bincount(dst, length=n), 1).astype(feat.dtype)
    h = agg * jnp.power(deg_in, -0.5)[:, None]
    h = h * (1.0 - alpha)
    rst = h + feat0 * alpha
    rst = (1.0 - beta) * rst + beta * (rst @ weight)
    return rst + bias


def reference(feat, edge_index, W_fc1, b_fc1, W_c1, b_c1, W_c2, b_c2, W_fc2, b_fc2):
    src = edge_index[0]
    dst = edge_index[1]
    # fc1 + relu (dropout is identity in eval mode)
    x0 = jax.nn.relu(feat @ W_fc1.T + b_fc1)
    x = jax.nn.relu(gcn2conv(src, dst, x0, x0, W_c1, b_c1, ALPHA, BETA1))
    x = gcn2conv(src, dst, x, x0, W_c2, b_c2, ALPHA, BETA2)  # is_out_layer=True
    out = x @ W_fc2.T + b_fc2
    return out

if __name__ == "__main__":
    import jax
    _d = setup_inputs()
    print(jax.jit(kernel)(*tuple(_d.values())))

</pallas_src>

<mosaic_0001>
#map = affine_map<(d0, d1) -> (0, 0)>
#map1 = affine_map<(d0, d1) -> (0, 0, 0)>
module attributes {stable_mosaic.version = 14 : i64} {
  func.func @_sc_segsum(%arg0: i32, %arg1: i32, %arg2: memref<10000x128xf32, #tpu.memory_space<hbm>>, %arg3: memref<32x125x80xi32, #tpu.memory_space<hbm>>, %arg4: memref<32x125x80xi32, #tpu.memory_space<hbm>>, %arg5: memref<640x128xf32, #tpu.memory_space<hbm>>, %arg6: memref<2x10240x128xf32, #tpu.memory_space<hbm>>, %arg7: memref<125x80xi32, #tpu.memory_space<vmem>>, %arg8: memref<125x80xi32, #tpu.memory_space<vmem>>, %arg9: memref<80x128xf32, #tpu.memory_space<vmem>>, %arg10: memref<10240x128xf32, #tpu.memory_space<vmem_shared>>, %arg11: memref<!tpu.dma_semaphore, #tpu.memory_space<semaphore_mem>>) attributes {dimension_semantics = [#tpu.dimension_semantics<core_parallel>, #tpu.dimension_semantics<subcore_parallel>], iteration_bounds = array<i64: 2, 16>, scalar_prefetch = 0 : i64, scratch_operands = 5 : i64, tpu.core_type = #tpu.core_type<sc_vector_subcore>, window_params = [{transform_indices = #map}, {transform_indices = #map1}, {transform_indices = #map1}, {transform_indices = #map}, {transform_indices = #map1}]} {
    %mul3A = arith.constant 16 : i32
    %mul3A_0 = arith.muli %arg0, %mul3A : i32
    %add3A = arith.addi %mul3A_0, %arg1 : i32
    %mul3A_1 = arith.constant 640 : i32
    %mul3A_2 = arith.muli %arg1, %mul3A_1 : i32
    "tpu.region"() ({
      %run_scoped3A_21 = tpu.sem_alloc : memref<!tpu.dma_semaphore, #tpu.memory_space<semaphore_mem>>
      %dma_start3A_22 = arith.constant 0 : i32
      %dma_start3A_23 = tpu.memref_slice %arg10[%mul3A_2, %dma_start3A_22] : memref<10240x128xf32, #tpu.memory_space<vmem_shared>> -> memref<640x128xf32, #tpu.memory_space<vmem_shared>>
      tpu.enqueue_dma source(%arg5 : memref<640x128xf32, #tpu.memory_space<hbm>>) target(%dma_start3A_23 : memref<640x128xf32, #tpu.memory_space<vmem_shared>>) target_semaphore(%run_scoped3A_21 : memref<!tpu.dma_semaphore, #tpu.memory_space<semaphore_mem>>)
      %dma_wait3A_24 = arith.constant 0 : i32
      %dma_wait3A_25 = tpu.memref_slice %arg10[%mul3A_2, %dma_wait3A_24] : memref<10240x128xf32, #tpu.memory_space<vmem_shared>> -> memref<640x128xf32, #tpu.memory_space<vmem_shared>>
      tpu.wait_dma2 semaphore(%run_scoped3A_21 : memref<!tpu.dma_semaphore, #tpu.memory_space<semaphore_mem>>) src(%arg5 : memref<640x128xf32, #tpu.memory_space<hbm>>) dst(%dma_wait3A_25 : memref<640x128xf32, #tpu.memory_space<vmem_shared>>)
      tpu.yield
    }) : () -> ()
    "tpu.region"() ({
      %run_scoped3A_21 = tpu.sem_alloc : memref<!tpu.dma_semaphore, #tpu.memory_space<semaphore_mem>>
      %dma_start3A_22 = arith.constant 0 : i32
      %dma_start3A_23 = arith.constant 0 : i32
      %dma_start3A_24 = tpu.memref_slice %arg3[%add3A, %dma_start3A_22, %dma_start3A_23] : memref<32x125x80xi32, #tpu.memory_space<hbm>> -> memref<1x125x80xi32, #tpu.memory_space<hbm>>
      %dma_start3A_25 = tpu.memref_squeeze %dma_start3A_24 : memref<1x125x80xi32, #tpu.memory_space<hbm>> -> memref<125x80xi32, #tpu.memory_space<hbm>>
      %dma_start3A_26 = arith.constant 0 : i32
      %dma_start3A_27 = arith.constant 0 : i32
      %dma_start3A_28 = tpu.memref_slice %arg3[%add3A, %dma_start3A_26, %dma_start3A_27] : memref<32x125x80xi32, #tpu.memory_space<hbm>> -> memref<1x125x80xi32, #tpu.memory_space<hbm>>
      %dma_start3A_29 = tpu.memref_squeeze %dma_start3A_28 : memref<1x125x80xi32, #tpu.memory_space<hbm>> -> memref<125x80xi32, #tpu.memory_space<hbm>>
      tpu.enqueue_dma source(%dma_start3A_29 : memref<125x80xi32, #tpu.memory_space<hbm>>) target(%arg7 : memref<125x80xi32, #tpu.memory_space<vmem>>) target_semaphore(%run_scoped3A_21 : memref<!tpu.dma_semaphore, #tpu.memory_space<semaphore_mem>>)
      %dma_wait3A_30 = arith.constant 0 : i32
      %dma_wait3A_31 = arith.constant 0 : i32
      %dma_wait3A_32 = tpu.memref_slice %arg3[%add3A, %dma_wait3A_30, %dma_wait3A_31] : memref<32x125x80xi32, #tpu.memory_space<hbm>> -> memref<1x125x80xi32, #tpu.memory_space<hbm>>
      %dma_wait3A_33 = tpu.memref_squeeze %dma_wait3A_32 : memref<1x125x80xi32, #tpu.memory_space<hbm>> -> memref<125x80xi32, #tpu.memory_space<hbm>>
      %dma_wait3A_34 = arith.constant 0 : i32
      %dma_wait3A_35 = arith.constant 0 : i32
      %dma_wait3A_36 = tpu.memref_slice %arg3[%add3A, %dma_wait3A_34, %dma_wait3A_35] : memref<32x125x80xi32, #tpu.memory_space<hbm>> -> memref<1x125x80xi32, #tpu.memory_space<hbm>>
      %dma_wait3A_37 = tpu.memref_squeeze %dma_wait3A_36 : memref<1x125x80xi32, #tpu.memory_space<hbm>> -> memref<125x80xi32, #tpu.memory_space<hbm>>
      tpu.wait_dma2 semaphore(%run_scoped3A_21 : memref<!tpu.dma_semaphore, #tpu.memory_space<semaphore_mem>>) src(%dma_wait3A_37 : memref<125x80xi32, #tpu.memory_space<hbm>>) dst(%arg7 : memref<125x80xi32, #tpu.memory_space<vmem>>)
      tpu.yield
    }) : () -> ()
    "tpu.region"() ({
      %run_scoped3A_21 = tpu.sem_alloc : memref<!tpu.dma_semaphore, #tpu.memory_space<semaphore_mem>>
      %dma_start3A_22 = arith.constant 0 : i32
      %dma_start3A_23 = arith.constant 0 : i32
      %dma_start3A_24 = tpu.memref_slice %arg4[%add3A, %dma_start3A_22, %dma_start3A_23] : memref<32x125x80xi32, #tpu.memory_space<hbm>> -> memref<1x125x80xi32, #tpu.memory_space<hbm>>
      %dma_start3A_25 = tpu.memref_squeeze %dma_start3A_24 : memref<1x125x80xi32, #tpu.memory_space<hbm>> -> memref<125x80xi32, #tpu.memory_space<hbm>>
      %dma_start3A_26 = arith.constant 0 : i32
      %dma_start3A_27 = arith.constant 0 : i32
      %dma_start3A_28 = tpu.memref_slice %arg4[%add3A, %dma_start3A_26, %dma_start3A_27] : memref<32x125x80xi32, #tpu.memory_space<hbm>> -> memref<1x125x80xi32, #tpu.memory_space<hbm>>
      %dma_start3A_29 = tpu.memref_squeeze %dma_start3A_28 : memref<1x125x80xi32, #tpu.memory_space<hbm>> -> memref<125x80xi32, #tpu.memory_space<hbm>>
      tpu.enqueue_dma source(%dma_start3A_29 : memref<125x80xi32, #tpu.memory_space<hbm>>) target(%arg8 : memref<125x80xi32, #tpu.memory_space<vmem>>) target_semaphore(%run_scoped3A_21 : memref<!tpu.dma_semaphore, #tpu.memory_space<semaphore_mem>>)
      %dma_wait3A_30 = arith.constant 0 : i32
      %dma_wait3A_31 = arith.constant 0 : i32
      %dma_wait3A_32 = tpu.memref_slice %arg4[%add3A, %dma_wait3A_30, %dma_wait3A_31] : memref<32x125x80xi32, #tpu.memory_space<hbm>> -> memref<1x125x80xi32, #tpu.memory_space<hbm>>
      %dma_wait3A_33 = tpu.memref_squeeze %dma_wait3A_32 : memref<1x125x80xi32, #tpu.memory_space<hbm>> -> memref<125x80xi32, #tpu.memory_space<hbm>>
      %dma_wait3A_34 = arith.constant 0 : i32
      %dma_wait3A_35 = arith.constant 0 : i32
      %dma_wait3A_36 = tpu.memref_slice %arg4[%add3A, %dma_wait3A_34, %dma_wait3A_35] : memref<32x125x80xi32, #tpu.memory_space<hbm>> -> memref<1x125x80xi32, #tpu.memory_space<hbm>>
      %dma_wait3A_37 = tpu.memref_squeeze %dma_wait3A_36 : memref<1x125x80xi32, #tpu.memory_space<hbm>> -> memref<125x80xi32, #tpu.memory_space<hbm>>
      tpu.wait_dma2 semaphore(%run_scoped3A_21 : memref<!tpu.dma_semaphore, #tpu.memory_space<semaphore_mem>>) src(%dma_wait3A_37 : memref<125x80xi32, #tpu.memory_space<hbm>>) dst(%arg8 : memref<125x80xi32, #tpu.memory_space<vmem>>)
      tpu.yield
    }) : () -> ()
    %barrier3A = arith.constant 0 : index
    tpu.barrier barrier_id(%barrier3A)
    %dma_start3A = arith.constant 0 : i32
    %dma_start3A_3 = arith.constant 0 : i32
    %dma_start3A_4 = tpu.memref_slice %arg7[%dma_start3A, %dma_start3A_3] : memref<125x80xi32, #tpu.memory_space<vmem>> -> memref<1x80xi32, #tpu.memory_space<vmem>>
    %dma_start3A_5 = tpu.memref_squeeze %dma_start3A_4 : memref<1x80xi32, #tpu.memory_space<vmem>> -> memref<80xi32, #tpu.memory_space<vmem>>
    %dma_start3A_6 = arith.constant 0 : i32
    %dma_start3A_7 = arith.constant 0 : i32
    %dma_start3A_8 = tpu.memref_slice %arg2[%dma_start3A_6, %dma_start3A_7] : memref<10000x128xf32, #tpu.memory_space<hbm>> -> memref<10000x128xf32, #tpu.memory_space<hbm>>
    tpu.enqueue_indirect_dma source(%dma_start3A_8 : memref<10000x128xf32, #tpu.memory_space<hbm>>) target(%arg9 : memref<80x128xf32, #tpu.memory_space<vmem>>) offsets(%dma_start3A_5 : memref<80xi32, #tpu.memory_space<vmem>>) semaphore(%arg11 : memref<!tpu.dma_semaphore, #tpu.memory_space<semaphore_mem>>)
    %scan3A = arith.constant 0 : i32
    %scan3A_9 = arith.constant 0 : i32
    %scan3A_10 = arith.constant 124 : i32
    %scan3A_11 = arith.addi %scan3A_9, %scan3A_10 : i32
    %scan3A_12 = arith.constant 1 : i32
    scf.for %scan3A_21 = %scan3A_9 to %scan3A_11 step %scan3A_12  : i32 {
      %mul3A_22 = arith.constant 1 : i32
      %mul3A_23 = arith.muli %scan3A_21, %mul3A_22 : i32
      %add3A_24 = arith.constant 0 : i32
      %add3A_25 = arith.addi %mul3A_23, %add3A_24 : i32
      %dma_wait3A_26 = arith.constant 0 : i32
      %dma_wait3A_27 = tpu.memref_slice %arg7[%add3A_25, %dma_wait3A_26] : memref<125x80xi32, #tpu.memory_space<vmem>> -> memref<1x80xi32, #tpu.memory_space<vmem>>
      %dma_wait3A_28 = tpu.memref_squeeze %dma_wait3A_27 : memref<1x80xi32, #tpu.memory_space<vmem>> -> memref<80xi32, #tpu.memory_space<vmem>>
      %dma_wait3A_29 = arith.constant 0 : i32
      %dma_wait3A_30 = arith.constant 0 : i32
      %dma_wait3A_31 = tpu.memref_slice %arg2[%dma_wait3A_29, %dma_wait3A_30] : memref<10000x128xf32, #tpu.memory_space<hbm>> -> memref<10000x128xf32, #tpu.memory_space<hbm>>
      tpu.wait_indirect_dma semaphore(%arg11 : memref<!tpu.dma_semaphore, #tpu.memory_space<semaphore_mem>>) src(%dma_wait3A_31 : memref<10000x128xf32, #tpu.memory_space<hbm>>) dst(%arg9 : memref<80x128xf32, #tpu.memory_space<vmem>>)
      "tpu.region"() ({
        %run_scoped3A_40 = tpu.sem_alloc : memref<!tpu.dma_semaphore, #tpu.memory_space<semaphore_mem>>
        %dma_start3A_41 = arith.constant 0 : i32
        %dma_start3A_42 = tpu.memref_slice %arg8[%add3A_25, %dma_start3A_41] : memref<125x80xi32, #tpu.memory_space<vmem>> -> memref<1x80xi32, #tpu.memory_space<vmem>>
        %dma_start3A_43 = tpu.memref_squeeze %dma_start3A_42 : memref<1x80xi32, #tpu.memory_space<vmem>> -> memref<80xi32, #tpu.memory_space<vmem>>
        %dma_start3A_44 = arith.constant 0 : i32
        %dma_start3A_45 = arith.constant 0 : i32
        %dma_start3A_46 = tpu.memref_slice %arg10[%dma_start3A_44, %dma_start3A_45] : memref<10240x128xf32, #tpu.memory_space<vmem_shared>> -> memref<10240x128xf32, #tpu.memory_space<vmem_shared>>
        tpu.enqueue_indirect_dma source(%arg9 : memref<80x128xf32, #tpu.memory_space<vmem>>) target(%dma_start3A_46 : memref<10240x128xf32, #tpu.memory_space<vmem_shared>>) offsets(%dma_start3A_43 : memref<80xi32, #tpu.memory_space<vmem>>) semaphore(%run_scoped3A_40 : memref<!tpu.dma_semaphore, #tpu.memory_space<semaphore_mem>>) {add = true}
        %dma_wait3A_47 = arith.constant 0 : i32
        %dma_wait3A_48 = tpu.memref_slice %arg8[%add3A_25, %dma_wait3A_47] : memref<125x80xi32, #tpu.memory_space<vmem>> -> memref<1x80xi32, #tpu.memory_space<vmem>>
        %dma_wait3A_49 = tpu.memref_squeeze %dma_wait3A_48 : memref<1x80xi32, #tpu.memory_space<vmem>> -> memref<80xi32, #tpu.memory_space<vmem>>
        %dma_wait3A_50 = arith.constant 0 : i32
        %dma_wait3A_51 = arith.constant 0 : i32
        %dma_wait3A_52 = tpu.memref_slice %arg10[%dma_wait3A_50, %dma_wait3A_51] : memref<10240x128xf32, #tpu.memory_space<vmem_shared>> -> memref<10240x128xf32, #tpu.memory_space<vmem_shared>>
        tpu.wait_indirect_dma semaphore(%run_scoped3A_40 : memref<!tpu.dma_semaphore, #tpu.memory_space<semaphore_mem>>) src(%arg9 : memref<80x128xf32, #tpu.memory_space<vmem>>) dst(%dma_wait3A_52 : memref<10240x128xf32, #tpu.memory_space<vmem_shared>>)
        tpu.yield
      }) : () -> ()
      %add3A_32 = arith.constant 1 : i32
      %add3A_33 = arith.addi %add3A_25, %add3A_32 : i32
      %dma_start3A_34 = arith.constant 0 : i32
      %dma_start3A_35 = tpu.memref_slice %arg7[%add3A_33, %dma_start3A_34] : memref<125x80xi32, #tpu.memory_space<vmem>> -> memref<1x80xi32, #tpu.memory_space<vmem>>
      %dma_start3A_36 = tpu.memref_squeeze %dma_start3A_35 : memref<1x80xi32, #tpu.memory_space<vmem>> -> memref<80xi32, #tpu.memory_space<vmem>>
      %dma_start3A_37 = arith.constant 0 : i32
      %dma_start3A_38 = arith.constant 0 : i32
      %dma_start3A_39 = tpu.memref_slice %arg2[%dma_start3A_37, %dma_start3A_38] : memref<10000x128xf32, #tpu.memory_space<hbm>> -> memref<10000x128xf32, #tpu.memory_space<hbm>>
      tpu.enqueue_indirect_dma source(%dma_start3A_39 : memref<10000x128xf32, #tpu.memory_space<hbm>>) target(%arg9 : memref<80x128xf32, #tpu.memory_space<vmem>>) offsets(%dma_start3A_36 : memref<80xi32, #tpu.memory_space<vmem>>) semaphore(%arg11 : memref<!tpu.dma_semaphore, #tpu.memory_space<semaphore_mem>>)
    }
    %scan3A_13 = arith.constant 124 : i32
    %dma_wait3A = arith.constant 124 : i32
    %dma_wait3A_14 = arith.constant 0 : i32
    %dma_wait3A_15 = tpu.memref_slice %arg7[%dma_wait3A, %dma_wait3A_14] : memref<125x80xi32, #tpu.memory_space<vmem>> -> memref<1x80xi32, #tpu.memory_space<vmem>>
    %dma_wait3A_16 = tpu.memref_squeeze %dma_wait3A_15 : memref<1x80xi32, #tpu.memory_space<vmem>> -> memref<80xi32, #tpu.memory_space<vmem>>
    %dma_wait3A_17 = arith.constant 0 : i32
    %dma_wait3A_18 = arith.constant 0 : i32
    %dma_wait3A_19 = tpu.memref_slice %arg2[%dma_wait3A_17, %dma_wait3A_18] : memref<10000x128xf32, #tpu.memory_space<hbm>> -> memref<10000x128xf32, #tpu.memory_space<hbm>>
    tpu.wait_indirect_dma semaphore(%arg11 : memref<!tpu.dma_semaphore, #tpu.memory_space<semaphore_mem>>) src(%dma_wait3A_19 : memref<10000x128xf32, #tpu.memory_space<hbm>>) dst(%arg9 : memref<80x128xf32, #tpu.memory_space<vmem>>)
    %run_scoped3A = arith.constant 124 : i32
    "tpu.region"() ({
      %run_scoped3A_21 = tpu.sem_alloc : memref<!tpu.dma_semaphore, #tpu.memory_space<semaphore_mem>>
      %dma_start3A_22 = arith.constant 0 : i32
      %dma_start3A_23 = tpu.memref_slice %arg8[%run_scoped3A, %dma_start3A_22] : memref<125x80xi32, #tpu.memory_space<vmem>> -> memref<1x80xi32, #tpu.memory_space<vmem>>
      %dma_start3A_24 = tpu.memref_squeeze %dma_start3A_23 : memref<1x80xi32, #tpu.memory_space<vmem>> -> memref<80xi32, #tpu.memory_space<vmem>>
      %dma_start3A_25 = arith.constant 0 : i32
      %dma_start3A_26 = arith.constant 0 : i32
      %dma_start3A_27 = tpu.memref_slice %arg10[%dma_start3A_25, %dma_start3A_26] : memref<10240x128xf32, #tpu.memory_space<vmem_shared>> -> memref<10240x128xf32, #tpu.memory_space<vmem_shared>>
      tpu.enqueue_indirect_dma source(%arg9 : memref<80x128xf32, #tpu.memory_space<vmem>>) target(%dma_start3A_27 : memref<10240x128xf32, #tpu.memory_space<vmem_shared>>) offsets(%dma_start3A_24 : memref<80xi32, #tpu.memory_space<vmem>>) semaphore(%run_scoped3A_21 : memref<!tpu.dma_semaphore, #tpu.memory_space<semaphore_mem>>) {add = true}
      %dma_wait3A_28 = arith.constant 0 : i32
      %dma_wait3A_29 = tpu.memref_slice %arg8[%run_scoped3A, %dma_wait3A_28] : memref<125x80xi32, #tpu.memory_space<vmem>> -> memref<1x80xi32, #tpu.memory_space<vmem>>
      %dma_wait3A_30 = tpu.memref_squeeze %dma_wait3A_29 : memref<1x80xi32, #tpu.memory_space<vmem>> -> memref<80xi32, #tpu.memory_space<vmem>>
      %dma_wait3A_31 = arith.constant 0 : i32
      %dma_wait3A_32 = arith.constant 0 : i32
      %dma_wait3A_33 = tpu.memref_slice %arg10[%dma_wait3A_31, %dma_wait3A_32] : memref<10240x128xf32, #tpu.memory_space<vmem_shared>> -> memref<10240x128xf32, #tpu.memory_space<vmem_shared>>
      tpu.wait_indirect_dma semaphore(%run_scoped3A_21 : memref<!tpu.dma_semaphore, #tpu.memory_space<semaphore_mem>>) src(%arg9 : memref<80x128xf32, #tpu.memory_space<vmem>>) dst(%dma_wait3A_33 : memref<10240x128xf32, #tpu.memory_space<vmem_shared>>)
      tpu.yield
    }) : () -> ()
    %barrier3A_20 = arith.constant 0 : index
    tpu.barrier barrier_id(%barrier3A_20)
    "tpu.region"() ({
      %run_scoped3A_21 = tpu.sem_alloc : memref<!tpu.dma_semaphore, #tpu.memory_space<semaphore_mem>>
      %dma_start3A_22 = arith.constant 0 : i32
      %dma_start3A_23 = arith.constant 0 : i32
      %dma_start3A_24 = tpu.memref_slice %arg6[%arg0, %dma_start3A_22, %dma_start3A_23] : memref<2x10240x128xf32, #tpu.memory_space<hbm>> -> memref<1x10240x128xf32, #tpu.memory_space<hbm>>
      %dma_start3A_25 = tpu.memref_squeeze %dma_start3A_24 : memref<1x10240x128xf32, #tpu.memory_space<hbm>> -> memref<10240x128xf32, #tpu.memory_space<hbm>>
      %dma_start3A_26 = arith.constant 0 : i32
      %dma_start3A_27 = tpu.memref_slice %dma_start3A_25[%mul3A_2, %dma_start3A_26] : memref<10240x128xf32, #tpu.memory_space<hbm>> -> memref<640x128xf32, #tpu.memory_space<hbm>>
      %dma_start3A_28 = arith.constant 0 : i32
      %dma_start3A_29 = tpu.memref_slice %arg10[%mul3A_2, %dma_start3A_28] : memref<10240x128xf32, #tpu.memory_space<vmem_shared>> -> memref<640x128xf32, #tpu.memory_space<vmem_shared>>
      tpu.enqueue_dma source(%dma_start3A_29 : memref<640x128xf32, #tpu.memory_space<vmem_shared>>) target(%dma_start3A_27 : memref<640x128xf32, #tpu.memory_space<hbm>>) target_semaphore(%run_scoped3A_21 : memref<!tpu.dma_semaphore, #tpu.memory_space<semaphore_mem>>)
      %dma_wait3A_30 = arith.constant 0 : i32
      %dma_wait3A_31 = arith.constant 0 : i32
      %dma_wait3A_32 = tpu.memref_slice %arg6[%arg0, %dma_wait3A_30, %dma_wait3A_31] : memref<2x10240x128xf32, #tpu.memory_space<hbm>> -> memref<1x10240x128xf32, #tpu.memory_space<hbm>>
      %dma_wait3A_33 = tpu.memref_squeeze %dma_wait3A_32 : memref<1x10240x128xf32, #tpu.memory_space<hbm>> -> memref<10240x128xf32, #tpu.memory_space<hbm>>
      %dma_wait3A_34 = arith.constant 0 : i32
      %dma_wait3A_35 = tpu.memref_slice %dma_wait3A_33[%mul3A_2, %dma_wait3A_34] : memref<10240x128xf32, #tpu.memory_space<hbm>> -> memref<640x128xf32, #tpu.memory_space<hbm>>
      %dma_wait3A_36 = arith.constant 0 : i32
      %dma_wait3A_37 = tpu.memref_slice %arg10[%mul3A_2, %dma_wait3A_36] : memref<10240x128xf32, #tpu.memory_space<vmem_shared>> -> memref<640x128xf32, #tpu.memory_space<vmem_shared>>
      tpu.wait_dma2 semaphore(%run_scoped3A_21 : memref<!tpu.dma_semaphore, #tpu.memory_space<semaphore_mem>>) src(%dma_wait3A_37 : memref<640x128xf32, #tpu.memory_space<vmem_shared>>) dst(%dma_wait3A_35 : memref<640x128xf32, #tpu.memory_space<hbm>>)
      tpu.yield
    }) : () -> ()
    return
  }
}

#map = affine_map<(d0, d1) -> (0, 0)>
#map1 = affine_map<(d0, d1) -> (0, 0, 0)>
module attributes {stable_mosaic.version = 14 : i64} {
  func.func @_sc_segsum(%arg0: i32, %arg1: i32, %arg2: memref<10000x128xf32, #tpu.memory_space<hbm>>, %arg3: memref<32x125x80xi32, #tpu.memory_space<hbm>>, %arg4: memref<32x125x80xi32, #tpu.memory_space<hbm>>, %arg5: memref<640x128xf32, #tpu.memory_space<hbm>>, %arg6: memref<2x10240x128xf32, #tpu.memory_space<hbm>>, %arg7: memref<125x80xi32, #tpu.memory_space<vmem>>, %arg8: memref<125x80xi32, #tpu.memory_space<vmem>>, %arg9: memref<80x128xf32, #tpu.memory_space<vmem>>, %arg10: memref<10240x128xf32, #tpu.memory_space<vmem_shared>>, %arg11: memref<!tpu.dma_semaphore, #tpu.memory_space<semaphore_mem>>) attributes {dimension_semantics = [#tpu.dimension_semantics<core_parallel>, #tpu.dimension_semantics<subcore_parallel>], iteration_bounds = array<i64: 2, 16>, scalar_prefetch = 0 : i64, scratch_operands = 5 : i64, tpu.core_type = #tpu.core_type<sc_vector_subcore>, window_params = [{transform_indices = #map}, {transform_indices = #map1}, {transform_indices = #map1}, {transform_indices = #map}, {transform_indices = #map1}]} {
    %mul3A = arith.constant 16 : i32
    %mul3A_0 = arith.muli %arg0, %mul3A : i32
    %add3A = arith.addi %mul3A_0, %arg1 : i32
    %mul3A_1 = arith.constant 640 : i32
    %mul3A_2 = arith.muli %arg1, %mul3A_1 : i32
    "tpu.region"() ({
      %run_scoped3A_21 = tpu.sem_alloc : memref<!tpu.dma_semaphore, #tpu.memory_space<semaphore_mem>>
      %dma_start3A_22 = arith.constant 0 : i32
      %dma_start3A_23 = tpu.memref_slice %arg10[%mul3A_2, %dma_start3A_22] : memref<10240x128xf32, #tpu.memory_space<vmem_shared>> -> memref<640x128xf32, #tpu.memory_space<vmem_shared>>
      tpu.enqueue_dma source(%arg5 : memref<640x128xf32, #tpu.memory_space<hbm>>) target(%dma_start3A_23 : memref<640x128xf32, #tpu.memory_space<vmem_shared>>) target_semaphore(%run_scoped3A_21 : memref<!tpu.dma_semaphore, #tpu.memory_space<semaphore_mem>>)
      %dma_wait3A_24 = arith.constant 0 : i32
      %dma_wait3A_25 = tpu.memref_slice %arg10[%mul3A_2, %dma_wait3A_24] : memref<10240x128xf32, #tpu.memory_space<vmem_shared>> -> memref<640x128xf32, #tpu.memory_space<vmem_shared>>
      tpu.wait_dma2 semaphore(%run_scoped3A_21 : memref<!tpu.dma_semaphore, #tpu.memory_space<semaphore_mem>>) src(%arg5 : memref<640x128xf32, #tpu.memory_space<hbm>>) dst(%dma_wait3A_25 : memref<640x128xf32, #tpu.memory_space<vmem_shared>>)
      tpu.yield
    }) : () -> ()
    "tpu.region"() ({
      %run_scoped3A_21 = tpu.sem_alloc : memref<!tpu.dma_semaphore, #tpu.memory_space<semaphore_mem>>
      %dma_start3A_22 = arith.constant 0 : i32
      %dma_start3A_23 = arith.constant 0 : i32
      %dma_start3A_24 = tpu.memref_slice %arg3[%add3A, %dma_start3A_22, %dma_start3A_23] : memref<32x125x80xi32, #tpu.memory_space<hbm>> -> memref<1x125x80xi32, #tpu.memory_space<hbm>>
      %dma_start3A_25 = tpu.memref_squeeze %dma_start3A_24 : memref<1x125x80xi32, #tpu.memory_space<hbm>> -> memref<125x80xi32, #tpu.memory_space<hbm>>
      %dma_start3A_26 = arith.constant 0 : i32
      %dma_start3A_27 = arith.constant 0 : i32
      %dma_start3A_28 = tpu.memref_slice %arg3[%add3A, %dma_start3A_26, %dma_start3A_27] : memref<32x125x80xi32, #tpu.memory_space<hbm>> -> memref<1x125x80xi32, #tpu.memory_space<hbm>>
      %dma_start3A_29 = tpu.memref_squeeze %dma_start3A_28 : memref<1x125x80xi32, #tpu.memory_space<hbm>> -> memref<125x80xi32, #tpu.memory_space<hbm>>
      tpu.enqueue_dma source(%dma_start3A_29 : memref<125x80xi32, #tpu.memory_space<hbm>>) target(%arg7 : memref<125x80xi32, #tpu.memory_space<vmem>>) target_semaphore(%run_scoped3A_21 : memref<!tpu.dma_semaphore, #tpu.memory_space<semaphore_mem>>)
      %dma_wait3A_30 = arith.constant 0 : i32
      %dma_wait3A_31 = arith.constant 0 : i32
      %dma_wait3A_32 = tpu.memref_slice %arg3[%add3A, %dma_wait3A_30, %dma_wait3A_31] : memref<32x125x80xi32, #tpu.memory_space<hbm>> -> memref<1x125x80xi32, #tpu.memory_space<hbm>>
      %dma_wait3A_33 = tpu.memref_squeeze %dma_wait3A_32 : memref<1x125x80xi32, #tpu.memory_space<hbm>> -> memref<125x80xi32, #tpu.memory_space<hbm>>
      %dma_wait3A_34 = arith.constant 0 : i32
      %dma_wait3A_35 = arith.constant 0 : i32
      %dma_wait3A_36 = tpu.memref_slice %arg3[%add3A, %dma_wait3A_34, %dma_wait3A_35] : memref<32x125x80xi32, #tpu.memory_space<hbm>> -> memref<1x125x80xi32, #tpu.memory_space<hbm>>
      %dma_wait3A_37 = tpu.memref_squeeze %dma_wait3A_36 : memref<1x125x80xi32, #tpu.memory_space<hbm>> -> memref<125x80xi32, #tpu.memory_space<hbm>>
      tpu.wait_dma2 semaphore(%run_scoped3A_21 : memref<!tpu.dma_semaphore, #tpu.memory_space<semaphore_mem>>) src(%dma_wait3A_37 : memref<125x80xi32, #tpu.memory_space<hbm>>) dst(%arg7 : memref<125x80xi32, #tpu.memory_space<vmem>>)
      tpu.yield
    }) : () -> ()
    "tpu.region"() ({
      %run_scoped3A_21 = tpu.sem_alloc : memref<!tpu.dma_semaphore, #tpu.memory_space<semaphore_mem>>
      %dma_start3A_22 = arith.constant 0 : i32
      %dma_start3A_23 = arith.constant 0 : i32
      %dma_start3A_24 = tpu.memref_slice %arg4[%add3A, %dma_start3A_22, %dma_start3A_23] : memref<32x125x80xi32, #tpu.memory_space<hbm>> -> memref<1x125x80xi32, #tpu.memory_space<hbm>>
      %dma_start3A_25 = tpu.memref_squeeze %dma_start3A_24 : memref<1x125x80xi32, #tpu.memory_space<hbm>> -> memref<125x80xi32, #tpu.memory_space<hbm>>
      %dma_start3A_26 = arith.constant 0 : i32
      %dma_start3A_27 = arith.constant 0 : i32
      %dma_start3A_28 = tpu.memref_slice %arg4[%add3A, %dma_start3A_26, %dma_start3A_27] : memref<32x125x80xi32, #tpu.memory_space<hbm>> -> memref<1x125x80xi32, #tpu.memory_space<hbm>>
      %dma_start3A_29 = tpu.memref_squeeze %dma_start3A_28 : memref<1x125x80xi32, #tpu.memory_space<hbm>> -> memref<125x80xi32, #tpu.memory_space<hbm>>
      tpu.enqueue_dma source(%dma_start3A_29 : memref<125x80xi32, #tpu.memory_space<hbm>>) target(%arg8 : memref<125x80xi32, #tpu.memory_space<vmem>>) target_semaphore(%run_scoped3A_21 : memref<!tpu.dma_semaphore, #tpu.memory_space<semaphore_mem>>)
      %dma_wait3A_30 = arith.constant 0 : i32
      %dma_wait3A_31 = arith.constant 0 : i32
      %dma_wait3A_32 = tpu.memref_slice %arg4[%add3A, %dma_wait3A_30, %dma_wait3A_31] : memref<32x125x80xi32, #tpu.memory_space<hbm>> -> memref<1x125x80xi32, #tpu.memory_space<hbm>>
      %dma_wait3A_33 = tpu.memref_squeeze %dma_wait3A_32 : memref<1x125x80xi32, #tpu.memory_space<hbm>> -> memref<125x80xi32, #tpu.memory_space<hbm>>
      %dma_wait3A_34 = arith.constant 0 : i32
      %dma_wait3A_35 = arith.constant 0 : i32
      %dma_wait3A_36 = tpu.memref_slice %arg4[%add3A, %dma_wait3A_34, %dma_wait3A_35] : memref<32x125x80xi32, #tpu.memory_space<hbm>> -> memref<1x125x80xi32, #tpu.memory_space<hbm>>
      %dma_wait3A_37 = tpu.memref_squeeze %dma_wait3A_36 : memref<1x125x80xi32, #tpu.memory_space<hbm>> -> memref<125x80xi32, #tpu.memory_space<hbm>>
      tpu.wait_dma2 semaphore(%run_scoped3A_21 : memref<!tpu.dma_semaphore, #tpu.memory_space<semaphore_mem>>) src(%dma_wait3A_37 : memref<125x80xi32, #tpu.memory_space<hbm>>) dst(%arg8 : memref<125x80xi32, #tpu.memory_space<vmem>>)
      tpu.yield
    }) : () -> ()
    %barrier3A = arith.constant 0 : index
    tpu.barrier barrier_id(%barrier3A)
    %dma_start3A = arith.constant 0 : i32
    %dma_start3A_3 = arith.constant 0 : i32
    %dma_start3A_4 = tpu.memref_slice %arg7[%dma_start3A, %dma_start3A_3] : memref<125x80xi32, #tpu.memory_space<vmem>> -> memref<1x80xi32, #tpu.memory_space<vmem>>
    %dma_start3A_5 = tpu.memref_squeeze %dma_start3A_4 : memref<1x80xi32, #tpu.memory_space<vmem>> -> memref<80xi32, #tpu.memory_space<vmem>>
    %dma_start3A_6 = arith.constant 0 : i32
    %dma_start3A_7 = arith.constant 0 : i32
    %dma_start3A_8 = tpu.memref_slice %arg2[%dma_start3A_6, %dma_start3A_7] : memref<10000x128xf32, #tpu.memory_space<hbm>> -> memref<10000x128xf32, #tpu.memory_space<hbm>>
    tpu.enqueue_indirect_dma source(%dma_start3A_8 : memref<10000x128xf32, #tpu.memory_space<hbm>>) target(%arg9 : memref<80x128xf32, #tpu.memory_space<vmem>>) offsets(%dma_start3A_5 : memref<80xi32, #tpu.memory_space<vmem>>) semaphore(%arg11 : memref<!tpu.dma_semaphore, #tpu.memory_space<semaphore_mem>>)
    %scan3A = arith.constant 0 : i32
    %scan3A_9 = arith.constant 0 : i32
    %scan3A_10 = arith.constant 124 : i32
    %scan3A_11 = arith.addi %scan3A_9, %scan3A_10 : i32
    %scan3A_12 = arith.constant 1 : i32
    scf.for %scan3A_21 = %scan3A_9 to %scan3A_11 step %scan3A_12  : i32 {
      %mul3A_22 = arith.constant 1 : i32
      %mul3A_23 = arith.muli %scan3A_21, %mul3A_22 : i32
      %add3A_24 = arith.constant 0 : i32
      %add3A_25 = arith.addi %mul3A_23, %add3A_24 : i32
      %dma_wait3A_26 = arith.constant 0 : i32
      %dma_wait3A_27 = tpu.memref_slice %arg7[%add3A_25, %dma_wait3A_26] : memref<125x80xi32, #tpu.memory_space<vmem>> -> memref<1x80xi32, #tpu.memory_space<vmem>>
      %dma_wait3A_28 = tpu.memref_squeeze %dma_wait3A_27 : memref<1x80xi32, #tpu.memory_space<vmem>> -> memref<80xi32, #tpu.memory_space<vmem>>
      %dma_wait3A_29 = arith.constant 0 : i32
      %dma_wait3A_30 = arith.constant 0 : i32
      %dma_wait3A_31 = tpu.memref_slice %arg2[%dma_wait3A_29, %dma_wait3A_30] : memref<10000x128xf32, #tpu.memory_space<hbm>> -> memref<10000x128xf32, #tpu.memory_space<hbm>>
      tpu.wait_indirect_dma semaphore(%arg11 : memref<!tpu.dma_semaphore, #tpu.memory_space<semaphore_mem>>) src(%dma_wait3A_31 : memref<10000x128xf32, #tpu.memory_space<hbm>>) dst(%arg9 : memref<80x128xf32, #tpu.memory_space<vmem>>)
      "tpu.region"() ({
        %run_scoped3A_40 = tpu.sem_alloc : memref<!tpu.dma_semaphore, #tpu.memory_space<semaphore_mem>>
        %dma_start3A_41 = arith.constant 0 : i32
        %dma_start3A_42 = tpu.memref_slice %arg8[%add3A_25, %dma_start3A_41] : memref<125x80xi32, #tpu.memory_space<vmem>> -> memref<1x80xi32, #tpu.memory_space<vmem>>
        %dma_start3A_43 = tpu.memref_squeeze %dma_start3A_42 : memref<1x80xi32, #tpu.memory_space<vmem>> -> memref<80xi32, #tpu.memory_space<vmem>>
        %dma_start3A_44 = arith.constant 0 : i32
        %dma_start3A_45 = arith.constant 0 : i32
        %dma_start3A_46 = tpu.memref_slice %arg10[%dma_start3A_44, %dma_start3A_45] : memref<10240x128xf32, #tpu.memory_space<vmem_shared>> -> memref<10240x128xf32, #tpu.memory_space<vmem_shared>>
        tpu.enqueue_indirect_dma source(%arg9 : memref<80x128xf32, #tpu.memory_space<vmem>>) target(%dma_start3A_46 : memref<10240x128xf32, #tpu.memory_space<vmem_shared>>) offsets(%dma_start3A_43 : memref<80xi32, #tpu.memory_space<vmem>>) semaphore(%run_scoped3A_40 : memref<!tpu.dma_semaphore, #tpu.memory_space<semaphore_mem>>) {add = true}
        %dma_wait3A_47 = arith.constant 0 : i32
        %dma_wait3A_48 = tpu.memref_slice %arg8[%add3A_25, %dma_wait3A_47] : memref<125x80xi32, #tpu.memory_space<vmem>> -> memref<1x80xi32, #tpu.memory_space<vmem>>
        %dma_wait3A_49 = tpu.memref_squeeze %dma_wait3A_48 : memref<1x80xi32, #tpu.memory_space<vmem>> -> memref<80xi32, #tpu.memory_space<vmem>>
        %dma_wait3A_50 = arith.constant 0 : i32
        %dma_wait3A_51 = arith.constant 0 : i32
        %dma_wait3A_52 = tpu.memref_slice %arg10[%dma_wait3A_50, %dma_wait3A_51] : memref<10240x128xf32, #tpu.memory_space<vmem_shared>> -> memref<10240x128xf32, #tpu.memory_space<vmem_shared>>
        tpu.wait_indirect_dma semaphore(%run_scoped3A_40 : memref<!tpu.dma_semaphore, #tpu.memory_space<semaphore_mem>>) src(%arg9 : memref<80x128xf32, #tpu.memory_space<vmem>>) dst(%dma_wait3A_52 : memref<10240x128xf32, #tpu.memory_space<vmem_shared>>)
        tpu.yield
      }) : () -> ()
      %add3A_32 = arith.constant 1 : i32
      %add3A_33 = arith.addi %add3A_25, %add3A_32 : i32
      %dma_start3A_34 = arith.constant 0 : i32
      %dma_start3A_35 = tpu.memref_slice %arg7[%add3A_33, %dma_start3A_34] : memref<125x80xi32, #tpu.memory_space<vmem>> -> memref<1x80xi32, #tpu.memory_space<vmem>>
      %dma_start3A_36 = tpu.memref_squeeze %dma_start3A_35 : memref<1x80xi32, #tpu.memory_space<vmem>> -> memref<80xi32, #tpu.memory_space<vmem>>
      %dma_start3A_37 = arith.constant 0 : i32
      %dma_start3A_38 = arith.constant 0 : i32
      %dma_start3A_39 = tpu.memref_slice %arg2[%dma_start3A_37, %dma_start3A_38] : memref<10000x128xf32, #tpu.memory_space<hbm>> -> memref<10000x128xf32, #tpu.memory_space<hbm>>
      tpu.enqueue_indirect_dma source(%dma_start3A_39 : memref<10000x128xf32, #tpu.memory_space<hbm>>) target(%arg9 : memref<80x128xf32, #tpu.memory_space<vmem>>) offsets(%dma_start3A_36 : memref<80xi32, #tpu.memory_space<vmem>>) semaphore(%arg11 : memref<!tpu.dma_semaphore, #tpu.memory_space<semaphore_mem>>)
    }
    %scan3A_13 = arith.constant 124 : i32
    %dma_wait3A = arith.constant 124 : i32
    %dma_wait3A_14 = arith.constant 0 : i32
    %dma_wait3A_15 = tpu.memref_slice %arg7[%dma_wait3A, %dma_wait3A_14] : memref<125x80xi32, #tpu.memory_space<vmem>> -> memref<1x80xi32, #tpu.memory_space<vmem>>
    %dma_wait3A_16 = tpu.memref_squeeze %dma_wait3A_15 : memref<1x80xi32, #tpu.memory_space<vmem>> -> memref<80xi32, #tpu.memory_space<vmem>>
    %dma_wait3A_17 = arith.constant 0 : i32
    %dma_wait3A_18 = arith.constant 0 : i32
    %dma_wait3A_19 = tpu.memref_slice %arg2[%dma_wait3A_17, %dma_wait3A_18] : memref<10000x128xf32, #tpu.memory_space<hbm>> -> memref<10000x128xf32, #tpu.memory_space<hbm>>
    tpu.wait_indirect_dma semaphore(%arg11 : memref<!tpu.dma_semaphore, #tpu.memory_space<semaphore_mem>>) src(%dma_wait3A_19 : memref<10000x128xf32, #tpu.memory_space<hbm>>) dst(%arg9 : memref<80x128xf32, #tpu.memory_space<vmem>>)
    %run_scoped3A = arith.constant 124 : i32
    "tpu.region"() ({
      %run_scoped3A_21 = tpu.sem_alloc : memref<!tpu.dma_semaphore, #tpu.memory_space<semaphore_mem>>
      %dma_start3A_22 = arith.constant 0 : i32
      %dma_start3A_23 = tpu.memref_slice %arg8[%run_scoped3A, %dma_start3A_22] : memref<125x80xi32, #tpu.memory_space<vmem>> -> memref<1x80xi32, #tpu.memory_space<vmem>>
      %dma_start3A_24 = tpu.memref_squeeze %dma_start3A_23 : memref<1x80xi32, #tpu.memory_space<vmem>> -> memref<80xi32, #tpu.memory_space<vmem>>
      %dma_start3A_25 = arith.constant 0 : i32
      %dma_start3A_26 = arith.constant 0 : i32
      %dma_start3A_27 = tpu.memref_slice %arg10[%dma_start3A_25, %dma_start3A_26] : memref<10240x128xf32, #tpu.memory_space<vmem_shared>> -> memref<10240x128xf32, #tpu.memory_space<vmem_shared>>
      tpu.enqueue_indirect_dma source(%arg9 : memref<80x128xf32, #tpu.memory_space<vmem>>) target(%dma_start3A_27 : memref<10240x128xf32, #tpu.memory_space<vmem_shared>>) offsets(%dma_start3A_24 : memref<80xi32, #tpu.memory_space<vmem>>) semaphore(%run_scoped3A_21 : memref<!tpu.dma_semaphore, #tpu.memory_space<semaphore_mem>>) {add = true}
      %dma_wait3A_28 = arith.constant 0 : i32
      %dma_wait3A_29 = tpu.memref_slice %arg8[%run_scoped3A, %dma_wait3A_28] : memref<125x80xi32, #tpu.memory_space<vmem>> -> memref<1x80xi32, #tpu.memory_space<vmem>>
      %dma_wait3A_30 = tpu.memref_squeeze %dma_wait3A_29 : memref<1x80xi32, #tpu.memory_space<vmem>> -> memref<80xi32, #tpu.memory_space<vmem>>
      %dma_wait3A_31 = arith.constant 0 : i32
      %dma_wait3A_32 = arith.constant 0 : i32
      %dma_wait3A_33 = tpu.memref_slice %arg10[%dma_wait3A_31, %dma_wait3A_32] : memref<10240x128xf32, #tpu.memory_space<vmem_shared>> -> memref<10240x128xf32, #tpu.memory_space<vmem_shared>>
      tpu.wait_indirect_dma semaphore(%run_scoped3A_21 : memref<!tpu.dma_semaphore, #tpu.memory_space<semaphore_mem>>) src(%arg9 : memref<80x128xf32, #tpu.memory_space<vmem>>) dst(%dma_wait3A_33 : memref<10240x128xf32, #tpu.memory_space<vmem_shared>>)
      tpu.yield
    }) : () -> ()
    %barrier3A_20 = arith.constant 0 : index
    tpu.barrier barrier_id(%barrier3A_20)
    "tpu.region"() ({
      %run_scoped3A_21 = tpu.sem_alloc : memref<!tpu.dma_semaphore, #tpu.memory_space<semaphore_mem>>
      %dma_start3A_22 = arith.constant 0 : i32
      %dma_start3A_23 = arith.constant 0 : i32
      %dma_start3A_24 = tpu.memref_slice %arg6[%arg0, %dma_start3A_22, %dma_start3A_23] : memref<2x10240x128xf32, #tpu.memory_space<hbm>> -> memref<1x10240x128xf32, #tpu.memory_space<hbm>>
      %dma_start3A_25 = tpu.memref_squeeze %dma_start3A_24 : memref<1x10240x128xf32, #tpu.memory_space<hbm>> -> memref<10240x128xf32, #tpu.memory_space<hbm>>
      %dma_start3A_26 = arith.constant 0 : i32
      %dma_start3A_27 = tpu.memref_slice %dma_start3A_25[%mul3A_2, %dma_start3A_26] : memref<10240x128xf32, #tpu.memory_space<hbm>> -> memref<640x128xf32, #tpu.memory_space<hbm>>
      %dma_start3A_28 = arith.constant 0 : i32
      %dma_start3A_29 = tpu.memref_slice %arg10[%mul3A_2, %dma_start3A_28] : memref<10240x128xf32, #tpu.memory_space<vmem_shared>> -> memref<640x128xf32, #tpu.memory_space<vmem_shared>>
      tpu.enqueue_dma source(%dma_start3A_29 : memref<640x128xf32, #tpu.memory_space<vmem_shared>>) target(%dma_start3A_27 : memref<640x128xf32, #tpu.memory_space<hbm>>) target_semaphore(%run_scoped3A_21 : memref<!tpu.dma_semaphore, #tpu.memory_space<semaphore_mem>>)
      %dma_wait3A_30 = arith.constant 0 : i32
      %dma_wait3A_31 = arith.constant 0 : i32
      %dma_wait3A_32 = tpu.memref_slice %arg6[%arg0, %dma_wait3A_30, %dma_wait3A_31] : memref<2x10240x128xf32, #tpu.memory_space<hbm>> -> memref<1x10240x128xf32, #tpu.memory_space<hbm>>
      %dma_wait3A_33 = tpu.memref_squeeze %dma_wait3A_32 : memref<1x10240x128xf32, #tpu.memory_space<hbm>> -> memref<10240x128xf32, #tpu.memory_space<hbm>>
      %dma_wait3A_34 = arith.constant 0 : i32
      %dma_wait3A_35 = tpu.memref_slice %dma_wait3A_33[%mul3A_2, %dma_wait3A_34] : memref<10240x128xf32, #tpu.memory_space<hbm>> -> memref<640x128xf32, #tpu.memory_space<hbm>>
      %dma_wait3A_36 = arith.constant 0 : i32
      %dma_wait3A_37 = tpu.memref_slice %arg10[%mul3A_2, %dma_wait3A_36] : memref<10240x128xf32, #tpu.memory_space<vmem_shared>> -> memref<640x128xf32, #tpu.memory_space<vmem_shared>>
      tpu.wait_dma2 semaphore(%run_scoped3A_21 : memref<!tpu.dma_semaphore, #tpu.memory_space<semaphore_mem>>) src(%dma_wait3A_37 : memref<640x128xf32, #tpu.memory_space<vmem_shared>>) dst(%dma_wait3A_35 : memref<640x128xf32, #tpu.memory_space<hbm>>)
      tpu.yield
    }) : () -> ()
    return
  }
}

#map = affine_map<(d0, d1) -> (0, 0)>
#map1 = affine_map<(d0, d1) -> (0, 0, 0)>
module attributes {stable_mosaic.version = 14 : i64} {
  func.func @_sc_segsum(%arg0: i32, %arg1: i32, %arg2: memref<10000x128xf32, #tpu.memory_space<hbm>>, %arg3: memref<32x125x80xi32, #tpu.memory_space<hbm>>, %arg4: memref<32x125x80xi32, #tpu.memory_space<hbm>>, %arg5: memref<640x128xf32, #tpu.memory_space<hbm>>, %arg6: memref<2x10240x128xf32, #tpu.memory_space<hbm>>, %arg7: memref<125x80xi32, #tpu.memory_space<vmem>>, %arg8: memref<125x80xi32, #tpu.memory_space<vmem>>, %arg9: memref<80x128xf32, #tpu.memory_space<vmem>>, %arg10: memref<10240x128xf32, #tpu.memory_space<vmem_shared>>, %arg11: memref<!tpu.dma_semaphore, #tpu.memory_space<semaphore_mem>>) attributes {dimension_semantics = [#tpu.dimension_semantics<core_parallel>, #tpu.dimension_semantics<subcore_parallel>], iteration_bounds = array<i64: 2, 16>, scalar_prefetch = 0 : i64, scratch_operands = 5 : i64, tpu.core_type = #tpu.core_type<sc_vector_subcore>, window_params = [{transform_indices = #map}, {transform_indices = #map1}, {transform_indices = #map1}, {transform_indices = #map}, {transform_indices = #map1}]} {
    %mul3A = arith.constant 16 : i32
    %mul3A_0 = arith.muli %arg0, %mul3A : i32
    %add3A = arith.addi %mul3A_0, %arg1 : i32
    %mul3A_1 = arith.constant 640 : i32
    %mul3A_2 = arith.muli %arg1, %mul3A_1 : i32
    "tpu.region"() ({
      %run_scoped3A_21 = tpu.sem_alloc : memref<!tpu.dma_semaphore, #tpu.memory_space<semaphore_mem>>
      %dma_start3A_22 = arith.constant 0 : i32
      %dma_start3A_23 = tpu.memref_slice %arg10[%mul3A_2, %dma_start3A_22] : memref<10240x128xf32, #tpu.memory_space<vmem_shared>> -> memref<640x128xf32, #tpu.memory_space<vmem_shared>>
      tpu.enqueue_dma source(%arg5 : memref<640x128xf32, #tpu.memory_space<hbm>>) target(%dma_start3A_23 : memref<640x128xf32, #tpu.memory_space<vmem_shared>>) target_semaphore(%run_scoped3A_21 : memref<!tpu.dma_semaphore, #tpu.memory_space<semaphore_mem>>)
      %dma_wait3A_24 = arith.constant 0 : i32
      %dma_wait3A_25 = tpu.memref_slice %arg10[%mul3A_2, %dma_wait3A_24] : memref<10240x128xf32, #tpu.memory_space<vmem_shared>> -> memref<640x128xf32, #tpu.memory_space<vmem_shared>>
      tpu.wait_dma2 semaphore(%run_scoped3A_21 : memref<!tpu.dma_semaphore, #tpu.memory_space<semaphore_mem>>) src(%arg5 : memref<640x128xf32, #tpu.memory_space<hbm>>) dst(%dma_wait3A_25 : memref<640x128xf32, #tpu.memory_space<vmem_shared>>)
      tpu.yield
    }) : () -> ()
    "tpu.region"() ({
      %run_scoped3A_21 = tpu.sem_alloc : memref<!tpu.dma_semaphore, #tpu.memory_space<semaphore_mem>>
      %dma_start3A_22 = arith.constant 0 : i32
      %dma_start3A_23 = arith.constant 0 : i32
      %dma_start3A_24 = tpu.memref_slice %arg3[%add3A, %dma_start3A_22, %dma_start3A_23] : memref<32x125x80xi32, #tpu.memory_space<hbm>> -> memref<1x125x80xi32, #tpu.memory_space<hbm>>
      %dma_start3A_25 = tpu.memref_squeeze %dma_start3A_24 : memref<1x125x80xi32, #tpu.memory_space<hbm>> -> memref<125x80xi32, #tpu.memory_space<hbm>>
      %dma_start3A_26 = arith.constant 0 : i32
      %dma_start3A_27 = arith.constant 0 : i32
      %dma_start3A_28 = tpu.memref_slice %arg3[%add3A, %dma_start3A_26, %dma_start3A_27] : memref<32x125x80xi32, #tpu.memory_space<hbm>> -> memref<1x125x80xi32, #tpu.memory_space<hbm>>
      %dma_start3A_29 = tpu.memref_squeeze %dma_start3A_28 : memref<1x125x80xi32, #tpu.memory_space<hbm>> -> memref<125x80xi32, #tpu.memory_space<hbm>>
      tpu.enqueue_dma source(%dma_start3A_29 : memref<125x80xi32, #tpu.memory_space<hbm>>) target(%arg7 : memref<125x80xi32, #tpu.memory_space<vmem>>) target_semaphore(%run_scoped3A_21 : memref<!tpu.dma_semaphore, #tpu.memory_space<semaphore_mem>>)
      %dma_wait3A_30 = arith.constant 0 : i32
      %dma_wait3A_31 = arith.constant 0 : i32
      %dma_wait3A_32 = tpu.memref_slice %arg3[%add3A, %dma_wait3A_30, %dma_wait3A_31] : memref<32x125x80xi32, #tpu.memory_space<hbm>> -> memref<1x125x80xi32, #tpu.memory_space<hbm>>
      %dma_wait3A_33 = tpu.memref_squeeze %dma_wait3A_32 : memref<1x125x80xi32, #tpu.memory_space<hbm>> -> memref<125x80xi32, #tpu.memory_space<hbm>>
      %dma_wait3A_34 = arith.constant 0 : i32
      %dma_wait3A_35 = arith.constant 0 : i32
      %dma_wait3A_36 = tpu.memref_slice %arg3[%add3A, %dma_wait3A_34, %dma_wait3A_35] : memref<32x125x80xi32, #tpu.memory_space<hbm>> -> memref<1x125x80xi32, #tpu.memory_space<hbm>>
      %dma_wait3A_37 = tpu.memref_squeeze %dma_wait3A_36 : memref<1x125x80xi32, #tpu.memory_space<hbm>> -> memref<125x80xi32, #tpu.memory_space<hbm>>
      tpu.wait_dma2 semaphore(%run_scoped3A_21 : memref<!tpu.dma_semaphore, #tpu.memory_space<semaphore_mem>>) src(%dma_wait3A_37 : memref<125x80xi32, #tpu.memory_space<hbm>>) dst(%arg7 : memref<125x80xi32, #tpu.memory_space<vmem>>)
      tpu.yield
    }) : () -> ()
    "tpu.region"() ({
      %run_scoped3A_21 = tpu.sem_alloc : memref<!tpu.dma_semaphore, #tpu.memory_space<semaphore_mem>>
      %dma_start3A_22 = arith.constant 0 : i32
      %dma_start3A_23 = arith.constant 0 : i32
      %dma_start3A_24 = tpu.memref_slice %arg4[%add3A, %dma_start3A_22, %dma_start3A_23] : memref<32x125x80xi32, #tpu.memory_space<hbm>> -> memref<1x125x80xi32, #tpu.memory_space<hbm>>
      %dma_start3A_25 = tpu.memref_squeeze %dma_start3A_24 : memref<1x125x80xi32, #tpu.memory_space<hbm>> -> memref<125x80xi32, #tpu.memory_space<hbm>>
      %dma_start3A_26 = arith.constant 0 : i32
      %dma_start3A_27 = arith.constant 0 : i32
      %dma_start3A_28 = tpu.memref_slice %arg4[%add3A, %dma_start3A_26, %dma_start3A_27] : memref<32x125x80xi32, #tpu.memory_space<hbm>> -> memref<1x125x80xi32, #tpu.memory_space<hbm>>
      %dma_start3A_29 = tpu.memref_squeeze %dma_start3A_28 : memref<1x125x80xi32, #tpu.memory_space<hbm>> -> memref<125x80xi32, #tpu.memory_space<hbm>>
      tpu.enqueue_dma source(%dma_start3A_29 : memref<125x80xi32, #tpu.memory_space<hbm>>) target(%arg8 : memref<125x80xi32, #tpu.memory_space<vmem>>) target_semaphore(%run_scoped3A_21 : memref<!tpu.dma_semaphore, #tpu.memory_space<semaphore_mem>>)
      %dma_wait3A_30 = arith.constant 0 : i32
      %dma_wait3A_31 = arith.constant 0 : i32
      %dma_wait3A_32 = tpu.memref_slice %arg4[%add3A, %dma_wait3A_30, %dma_wait3A_31] : memref<32x125x80xi32, #tpu.memory_space<hbm>> -> memref<1x125x80xi32, #tpu.memory_space<hbm>>
      %dma_wait3A_33 = tpu.memref_squeeze %dma_wait3A_32 : memref<1x125x80xi32, #tpu.memory_space<hbm>> -> memref<125x80xi32, #tpu.memory_space<hbm>>
      %dma_wait3A_34 = arith.constant 0 : i32
      %dma_wait3A_35 = arith.constant 0 : i32
      %dma_wait3A_36 = tpu.memref_slice %arg4[%add3A, %dma_wait3A_34, %dma_wait3A_35] : memref<32x125x80xi32, #tpu.memory_space<hbm>> -> memref<1x125x80xi32, #tpu.memory_space<hbm>>
      %dma_wait3A_37 = tpu.memref_squeeze %dma_wait3A_36 : memref<1x125x80xi32, #tpu.memory_space<hbm>> -> memref<125x80xi32, #tpu.memory_space<hbm>>
      tpu.wait_dma2 semaphore(%run_scoped3A_21 : memref<!tpu.dma_semaphore, #tpu.memory_space<semaphore_mem>>) src(%dma_wait3A_37 : memref<125x80xi32, #tpu.memory_space<hbm>>) dst(%arg8 : memref<125x80xi32, #tpu.memory_space<vmem>>)
      tpu.yield
    }) : () -> ()
    %barrier3A = arith.constant 0 : index
    tpu.barrier barrier_id(%barrier3A)
    %dma_start3A = arith.constant 0 : i32
    %dma_start3A_3 = arith.constant 0 : i32
    %dma_start3A_4 = tpu.memref_slice %arg7[%dma_start3A, %dma_start3A_3] : memref<125x80xi32, #tpu.memory_space<vmem>> -> memref<1x80xi32, #tpu.memory_space<vmem>>
    %dma_start3A_5 = tpu.memref_squeeze %dma_start3A_4 : memref<1x80xi32, #tpu.memory_space<vmem>> -> memref<80xi32, #tpu.memory_space<vmem>>
    %dma_start3A_6 = arith.constant 0 : i32
    %dma_start3A_7 = arith.constant 0 : i32
    %dma_start3A_8 = tpu.memref_slice %arg2[%dma_start3A_6, %dma_start3A_7] : memref<10000x128xf32, #tpu.memory_space<hbm>> -> memref<10000x128xf32, #tpu.memory_space<hbm>>
    tpu.enqueue_indirect_dma source(%dma_start3A_8 : memref<10000x128xf32, #tpu.memory_space<hbm>>) target(%arg9 : memref<80x128xf32, #tpu.memory_space<vmem>>) offsets(%dma_start3A_5 : memref<80xi32, #tpu.memory_space<vmem>>) semaphore(%arg11 : memref<!tpu.dma_semaphore, #tpu.memory_space<semaphore_mem>>)
    %scan3A = arith.constant 0 : i32
    %scan3A_9 = arith.constant 0 : i32
    %scan3A_10 = arith.constant 124 : i32
    %scan3A_11 = arith.addi %scan3A_9, %scan3A_10 : i32
    %scan3A_12 = arith.constant 1 : i32
    scf.for %scan3A_21 = %scan3A_9 to %scan3A_11 step %scan3A_12  : i32 {
      %mul3A_22 = arith.constant 1 : i32
      %mul3A_23 = arith.muli %scan3A_21, %mul3A_22 : i32
      %add3A_24 = arith.constant 0 : i32
      %add3A_25 = arith.addi %mul3A_23, %add3A_24 : i32
      %dma_wait3A_26 = arith.constant 0 : i32
      %dma_wait3A_27 = tpu.memref_slice %arg7[%add3A_25, %dma_wait3A_26] : memref<125x80xi32, #tpu.memory_space<vmem>> -> memref<1x80xi32, #tpu.memory_space<vmem>>
      %dma_wait3A_28 = tpu.memref_squeeze %dma_wait3A_27 : memref<1x80xi32, #tpu.memory_space<vmem>> -> memref<80xi32, #tpu.memory_space<vmem>>
      %dma_wait3A_29 = arith.constant 0 : i32
      %dma_wait3A_30 = arith.constant 0 : i32
      %dma_wait3A_31 = tpu.memref_slice %arg2[%dma_wait3A_29, %dma_wait3A_30] : memref<10000x128xf32, #tpu.memory_space<hbm>> -> memref<10000x128xf32, #tpu.memory_space<hbm>>
      tpu.wait_indirect_dma semaphore(%arg11 : memref<!tpu.dma_semaphore, #tpu.memory_space<semaphore_mem>>) src(%dma_wait3A_31 : memref<10000x128xf32, #tpu.memory_space<hbm>>) dst(%arg9 : memref<80x128xf32, #tpu.memory_space<vmem>>)
      "tpu.region"() ({
        %run_scoped3A_40 = tpu.sem_alloc : memref<!tpu.dma_semaphore, #tpu.memory_space<semaphore_mem>>
        %dma_start3A_41 = arith.constant 0 : i32
        %dma_start3A_42 = tpu.memref_slice %arg8[%add3A_25, %dma_start3A_41] : memref<125x80xi32, #tpu.memory_space<vmem>> -> memref<1x80xi32, #tpu.memory_space<vmem>>
        %dma_start3A_43 = tpu.memref_squeeze %dma_start3A_42 : memref<1x80xi32, #tpu.memory_space<vmem>> -> memref<80xi32, #tpu.memory_space<vmem>>
        %dma_start3A_44 = arith.constant 0 : i32
        %dma_start3A_45 = arith.constant 0 : i32
        %dma_start3A_46 = tpu.memref_slice %arg10[%dma_start3A_44, %dma_start3A_45] : memref<10240x128xf32, #tpu.memory_space<vmem_shared>> -> memref<10240x128xf32, #tpu.memory_space<vmem_shared>>
        tpu.enqueue_indirect_dma source(%arg9 : memref<80x128xf32, #tpu.memory_space<vmem>>) target(%dma_start3A_46 : memref<10240x128xf32, #tpu.memory_space<vmem_shared>>) offsets(%dma_start3A_43 : memref<80xi32, #tpu.memory_space<vmem>>) semaphore(%run_scoped3A_40 : memref<!tpu.dma_semaphore, #tpu.memory_space<semaphore_mem>>) {add = true}
        %dma_wait3A_47 = arith.constant 0 : i32
        %dma_wait3A_48 = tpu.memref_slice %arg8[%add3A_25, %dma_wait3A_47] : memref<125x80xi32, #tpu.memory_space<vmem>> -> memref<1x80xi32, #tpu.memory_space<vmem>>
        %dma_wait3A_49 = tpu.memref_squeeze %dma_wait3A_48 : memref<1x80xi32, #tpu.memory_space<vmem>> -> memref<80xi32, #tpu.memory_space<vmem>>
        %dma_wait3A_50 = arith.constant 0 : i32
        %dma_wait3A_51 = arith.constant 0 : i32
        %dma_wait3A_52 = tpu.memref_slice %arg10[%dma_wait3A_50, %dma_wait3A_51] : memref<10240x128xf32, #tpu.memory_space<vmem_shared>> -> memref<10240x128xf32, #tpu.memory_space<vmem_shared>>
        tpu.wait_indirect_dma semaphore(%run_scoped3A_40 : memref<!tpu.dma_semaphore, #tpu.memory_space<semaphore_mem>>) src(%arg9 : memref<80x128xf32, #tpu.memory_space<vmem>>) dst(%dma_wait3A_52 : memref<10240x128xf32, #tpu.memory_space<vmem_shared>>)
        tpu.yield
      }) : () -> ()
      %add3A_32 = arith.constant 1 : i32
      %add3A_33 = arith.addi %add3A_25, %add3A_32 : i32
      %dma_start3A_34 = arith.constant 0 : i32
      %dma_start3A_35 = tpu.memref_slice %arg7[%add3A_33, %dma_start3A_34] : memref<125x80xi32, #tpu.memory_space<vmem>> -> memref<1x80xi32, #tpu.memory_space<vmem>>
      %dma_start3A_36 = tpu.memref_squeeze %dma_start3A_35 : memref<1x80xi32, #tpu.memory_space<vmem>> -> memref<80xi32, #tpu.memory_space<vmem>>
      %dma_start3A_37 = arith.constant 0 : i32
      %dma_start3A_38 = arith.constant 0 : i32
      %dma_start3A_39 = tpu.memref_slice %arg2[%dma_start3A_37, %dma_start3A_38] : memref<10000x128xf32, #tpu.memory_space<hbm>> -> memref<10000x128xf32, #tpu.memory_space<hbm>>
      tpu.enqueue_indirect_dma source(%dma_start3A_39 : memref<10000x128xf32, #tpu.memory_space<hbm>>) target(%arg9 : memref<80x128xf32, #tpu.memory_space<vmem>>) offsets(%dma_start3A_36 : memref<80xi32, #tpu.memory_space<vmem>>) semaphore(%arg11 : memref<!tpu.dma_semaphore, #tpu.memory_space<semaphore_mem>>)
    }
    %scan3A_13 = arith.constant 124 : i32
    %dma_wait3A = arith.constant 124 : i32
    %dma_wait3A_14 = arith.constant 0 : i32
    %dma_wait3A_15 = tpu.memref_slice %arg7[%dma_wait3A, %dma_wait3A_14] : memref<125x80xi32, #tpu.memory_space<vmem>> -> memref<1x80xi32, #tpu.memory_space<vmem>>
    %dma_wait3A_16 = tpu.memref_squeeze %dma_wait3A_15 : memref<1x80xi32, #tpu.memory_space<vmem>> -> memref<80xi32, #tpu.memory_space<vmem>>
    %dma_wait3A_17 = arith.constant 0 : i32
    %dma_wait3A_18 = arith.constant 0 : i32
    %dma_wait3A_19 = tpu.memref_slice %arg2[%dma_wait3A_17, %dma_wait3A_18] : memref<10000x128xf32, #tpu.memory_space<hbm>> -> memref<10000x128xf32, #tpu.memory_space<hbm>>
    tpu.wait_indirect_dma semaphore(%arg11 : memref<!tpu.dma_semaphore, #tpu.memory_space<semaphore_mem>>) src(%dma_wait3A_19 : memref<10000x128xf32, #tpu.memory_space<hbm>>) dst(%arg9 : memref<80x128xf32, #tpu.memory_space<vmem>>)
    %run_scoped3A = arith.constant 124 : i32
    "tpu.region"() ({
      %run_scoped3A_21 = tpu.sem_alloc : memref<!tpu.dma_semaphore, #tpu.memory_space<semaphore_mem>>
      %dma_start3A_22 = arith.constant 0 : i32
      %dma_start3A_23 = tpu.memref_slice %arg8[%run_scoped3A, %dma_start3A_22] : memref<125x80xi32, #tpu.memory_space<vmem>> -> memref<1x80xi32, #tpu.memory_space<vmem>>
      %dma_start3A_24 = tpu.memref_squeeze %dma_start3A_23 : memref<1x80xi32, #tpu.memory_space<vmem>> -> memref<80xi32, #tpu.memory_space<vmem>>
      %dma_start3A_25 = arith.constant 0 : i32
      %dma_start3A_26 = arith.constant 0 : i32
      %dma_start3A_27 = tpu.memref_slice %arg10[%dma_start3A_25, %dma_start3A_26] : memref<10240x128xf32, #tpu.memory_space<vmem_shared>> -> memref<10240x128xf32, #tpu.memory_space<vmem_shared>>
      tpu.enqueue_indirect_dma source(%arg9 : memref<80x128xf32, #tpu.memory_space<vmem>>) target(%dma_start3A_27 : memref<10240x128xf32, #tpu.memory_space<vmem_shared>>) offsets(%dma_start3A_24 : memref<80xi32, #tpu.memory_space<vmem>>) semaphore(%run_scoped3A_21 : memref<!tpu.dma_semaphore, #tpu.memory_space<semaphore_mem>>) {add = true}
      %dma_wait3A_28 = arith.constant 0 : i32
      %dma_wait3A_29 = tpu.memref_slice %arg8[%run_scoped3A, %dma_wait3A_28] : memref<125x80xi32, #tpu.memory_space<vmem>> -> memref<1x80xi32, #tpu.memory_space<vmem>>
      %dma_wait3A_30 = tpu.memref_squeeze %dma_wait3A_29 : memref<1x80xi32, #tpu.memory_space<vmem>> -> memref<80xi32, #tpu.memory_space<vmem>>
      %dma_wait3A_31 = arith.constant 0 : i32
      %dma_wait3A_32 = arith.constant 0 : i32
      %dma_wait3A_33 = tpu.memref_slice %arg10[%dma_wait3A_31, %dma_wait3A_32] : memref<10240x128xf32, #tpu.memory_space<vmem_shared>> -> memref<10240x128xf32, #tpu.memory_space<vmem_shared>>
      tpu.wait_indirect_dma semaphore(%run_scoped3A_21 : memref<!tpu.dma_semaphore, #tpu.memory_space<semaphore_mem>>) src(%arg9 : memref<80x128xf32, #tpu.memory_space<vmem>>) dst(%dma_wait3A_33 : memref<10240x128xf32, #tpu.memory_space<vmem_shared>>)
      tpu.yield
    }) : () -> ()
    %barrier3A_20 = arith.constant 0 : index
    tpu.barrier barrier_id(%barrier3A_20)
    "tpu.region"() ({
      %run_scoped3A_21 = tpu.sem_alloc : memref<!tpu.dma_semaphore, #tpu.memory_space<semaphore_mem>>
      %dma_start3A_22 = arith.constant 0 : i32
      %dma_start3A_23 = arith.constant 0 : i32
      %dma_start3A_24 = tpu.memref_slice %arg6[%arg0, %dma_start3A_22, %dma_start3A_23] : memref<2x10240x128xf32, #tpu.memory_space<hbm>> -> memref<1x10240x128xf32, #tpu.memory_space<hbm>>
      %dma_start3A_25 = tpu.memref_squeeze %dma_start3A_24 : memref<1x10240x128xf32, #tpu.memory_space<hbm>> -> memref<10240x128xf32, #tpu.memory_space<hbm>>
      %dma_start3A_26 = arith.constant 0 : i32
      %dma_start3A_27 = tpu.memref_slice %dma_start3A_25[%mul3A_2, %dma_start3A_26] : memref<10240x128xf32, #tpu.memory_space<hbm>> -> memref<640x128xf32, #tpu.memory_space<hbm>>
      %dma_start3A_28 = arith.constant 0 : i32
      %dma_start3A_29 = tpu.memref_slice %arg10[%mul3A_2, %dma_start3A_28] : memref<10240x128xf32, #tpu.memory_space<vmem_shared>> -> memref<640x128xf32, #tpu.memory_space<vmem_shared>>
      tpu.enqueue_dma source(%dma_start3A_29 : memref<640x128xf32, #tpu.memory_space<vmem_shared>>) target(%dma_start3A_27 : memref<640x128xf32, #tpu.memory_space<hbm>>) target_semaphore(%run_scoped3A_21 : memref<!tpu.dma_semaphore, #tpu.memory_space<semaphore_mem>>)
      %dma_wait3A_30 = arith.constant 0 : i32
      %dma_wait3A_31 = arith.constant 0 : i32
      %dma_wait3A_32 = tpu.memref_slice %arg6[%arg0, %dma_wait3A_30, %dma_wait3A_31] : memref<2x10240x128xf32, #tpu.memory_space<hbm>> -> memref<1x10240x128xf32, #tpu.memory_space<hbm>>
      %dma_wait3A_33 = tpu.memref_squeeze %dma_wait3A_32 : memref<1x10240x128xf32, #tpu.memory_space<hbm>> -> memref<10240x128xf32, #tpu.memory_space<hbm>>
      %dma_wait3A_34 = arith.constant 0 : i32
      %dma_wait3A_35 = tpu.memref_slice %dma_wait3A_33[%mul3A_2, %dma_wait3A_34] : memref<10240x128xf32, #tpu.memory_space<hbm>> -> memref<640x128xf32, #tpu.memory_space<hbm>>
      %dma_wait3A_36 = arith.constant 0 : i32
      %dma_wait3A_37 = tpu.memref_slice %arg10[%mul3A_2, %dma_wait3A_36] : memref<10240x128xf32, #tpu.memory_space<vmem_shared>> -> memref<640x128xf32, #tpu.memory_space<vmem_shared>>
      tpu.wait_dma2 semaphore(%run_scoped3A_21 : memref<!tpu.dma_semaphore, #tpu.memory_space<semaphore_mem>>) src(%dma_wait3A_37 : memref<640x128xf32, #tpu.memory_space<vmem_shared>>) dst(%dma_wait3A_35 : memref<640x128xf32, #tpu.memory_space<hbm>>)
      tpu.yield
    }) : () -> ()
    return
  }
}

#map = affine_map<(d0, d1) -> (0, 0)>
#map1 = affine_map<(d0, d1) -> (0, 0, 0)>
module attributes {stable_mosaic.version = 14 : i64} {
  func.func @_sc_segsum(%arg0: i32, %arg1: i32, %arg2: memref<10000x128xf32, #tpu.memory_space<hbm>>, %arg3: memref<32x125x80xi32, #tpu.memory_space<hbm>>, %arg4: memref<32x125x80xi32, #tpu.memory_space<hbm>>, %arg5: memref<640x128xf32, #tpu.memory_space<hbm>>, %arg6: memref<2x10240x128xf32, #tpu.memory_space<hbm>>, %arg7: memref<125x80xi32, #tpu.memory_space<vmem>>, %arg8: memref<125x80xi32, #tpu.memory_space<vmem>>, %arg9: memref<80x128xf32, #tpu.memory_space<vmem>>, %arg10: memref<10240x128xf32, #tpu.memory_space<vmem_shared>>, %arg11: memref<!tpu.dma_semaphore, #tpu.memory_space<semaphore_mem>>) attributes {dimension_semantics = [#tpu.dimension_semantics<core_parallel>, #tpu.dimension_semantics<subcore_parallel>], iteration_bounds = array<i64: 2, 16>, scalar_prefetch = 0 : i64, scratch_operands = 5 : i64, tpu.core_type = #tpu.core_type<sc_vector_subcore>, window_params = [{transform_indices = #map}, {transform_indices = #map1}, {transform_indices = #map1}, {transform_indices = #map}, {transform_indices = #map1}]} {
    %mul3A = arith.constant 16 : i32
    %mul3A_0 = arith.muli %arg0, %mul3A : i32
    %add3A = arith.addi %mul3A_0, %arg1 : i32
    %mul3A_1 = arith.constant 640 : i32
    %mul3A_2 = arith.muli %arg1, %mul3A_1 : i32
    "tpu.region"() ({
      %run_scoped3A_21 = tpu.sem_alloc : memref<!tpu.dma_semaphore, #tpu.memory_space<semaphore_mem>>
      %dma_start3A_22 = arith.constant 0 : i32
      %dma_start3A_23 = tpu.memref_slice %arg10[%mul3A_2, %dma_start3A_22] : memref<10240x128xf32, #tpu.memory_space<vmem_shared>> -> memref<640x128xf32, #tpu.memory_space<vmem_shared>>
      tpu.enqueue_dma source(%arg5 : memref<640x128xf32, #tpu.memory_space<hbm>>) target(%dma_start3A_23 : memref<640x128xf32, #tpu.memory_space<vmem_shared>>) target_semaphore(%run_scoped3A_21 : memref<!tpu.dma_semaphore, #tpu.memory_space<semaphore_mem>>)
      %dma_wait3A_24 = arith.constant 0 : i32
      %dma_wait3A_25 = tpu.memref_slice %arg10[%mul3A_2, %dma_wait3A_24] : memref<10240x128xf32, #tpu.memory_space<vmem_shared>> -> memref<640x128xf32, #tpu.memory_space<vmem_shared>>
      tpu.wait_dma2 semaphore(%run_scoped3A_21 : memref<!tpu.dma_semaphore, #tpu.memory_space<semaphore_mem>>) src(%arg5 : memref<640x128xf32, #tpu.memory_space<hbm>>) dst(%dma_wait3A_25 : memref<640x128xf32, #tpu.memory_space<vmem_shared>>)
      tpu.yield
    }) : () -> ()
    "tpu.region"() ({
      %run_scoped3A_21 = tpu.sem_alloc : memref<!tpu.dma_semaphore, #tpu.memory_space<semaphore_mem>>
      %dma_start3A_22 = arith.constant 0 : i32
      %dma_start3A_23 = arith.constant 0 : i32
      %dma_start3A_24 = tpu.memref_slice %arg3[%add3A, %dma_start3A_22, %dma_start3A_23] : memref<32x125x80xi32, #tpu.memory_space<hbm>> -> memref<1x125x80xi32, #tpu.memory_space<hbm>>
      %dma_start3A_25 = tpu.memref_squeeze %dma_start3A_24 : memref<1x125x80xi32, #tpu.memory_space<hbm>> -> memref<125x80xi32, #tpu.memory_space<hbm>>
      %dma_start3A_26 = arith.constant 0 : i32
      %dma_start3A_27 = arith.constant 0 : i32
      %dma_start3A_28 = tpu.memref_slice %arg3[%add3A, %dma_start3A_26, %dma_start3A_27] : memref<32x125x80xi32, #tpu.memory_space<hbm>> -> memref<1x125x80xi32, #tpu.memory_space<hbm>>
      %dma_start3A_29 = tpu.memref_squeeze %dma_start3A_28 : memref<1x125x80xi32, #tpu.memory_space<hbm>> -> memref<125x80xi32, #tpu.memory_space<hbm>>
      tpu.enqueue_dma source(%dma_start3A_29 : memref<125x80xi32, #tpu.memory_space<hbm>>) target(%arg7 : memref<125x80xi32, #tpu.memory_space<vmem>>) target_semaphore(%run_scoped3A_21 : memref<!tpu.dma_semaphore, #tpu.memory_space<semaphore_mem>>)
      %dma_wait3A_30 = arith.constant 0 : i32
      %dma_wait3A_31 = arith.constant 0 : i32
      %dma_wait3A_32 = tpu.memref_slice %arg3[%add3A, %dma_wait3A_30, %dma_wait3A_31] : memref<32x125x80xi32, #tpu.memory_space<hbm>> -> memref<1x125x80xi32, #tpu.memory_space<hbm>>
      %dma_wait3A_33 = tpu.memref_squeeze %dma_wait3A_32 : memref<1x125x80xi32, #tpu.memory_space<hbm>> -> memref<125x80xi32, #tpu.memory_space<hbm>>
      %dma_wait3A_34 = arith.constant 0 : i32
      %dma_wait3A_35 = arith.constant 0 : i32
      %dma_wait3A_36 = tpu.memref_slice %arg3[%add3A, %dma_wait3A_34, %dma_wait3A_35] : memref<32x125x80xi32, #tpu.memory_space<hbm>> -> memref<1x125x80xi32, #tpu.memory_space<hbm>>
      %dma_wait3A_37 = tpu.memref_squeeze %dma_wait3A_36 : memref<1x125x80xi32, #tpu.memory_space<hbm>> -> memref<125x80xi32, #tpu.memory_space<hbm>>
      tpu.wait_dma2 semaphore(%run_scoped3A_21 : memref<!tpu.dma_semaphore, #tpu.memory_space<semaphore_mem>>) src(%dma_wait3A_37 : memref<125x80xi32, #tpu.memory_space<hbm>>) dst(%arg7 : memref<125x80xi32, #tpu.memory_space<vmem>>)
      tpu.yield
    }) : () -> ()
    "tpu.region"() ({
      %run_scoped3A_21 = tpu.sem_alloc : memref<!tpu.dma_semaphore, #tpu.memory_space<semaphore_mem>>
      %dma_start3A_22 = arith.constant 0 : i32
      %dma_start3A_23 = arith.constant 0 : i32
      %dma_start3A_24 = tpu.memref_slice %arg4[%add3A, %dma_start3A_22, %dma_start3A_23] : memref<32x125x80xi32, #tpu.memory_space<hbm>> -> memref<1x125x80xi32, #tpu.memory_space<hbm>>
      %dma_start3A_25 = tpu.memref_squeeze %dma_start3A_24 : memref<1x125x80xi32, #tpu.memory_space<hbm>> -> memref<125x80xi32, #tpu.memory_space<hbm>>
      %dma_start3A_26 = arith.constant 0 : i32
      %dma_start3A_27 = arith.constant 0 : i32
      %dma_start3A_28 = tpu.memref_slice %arg4[%add3A, %dma_start3A_26, %dma_start3A_27] : memref<32x125x80xi32, #tpu.memory_space<hbm>> -> memref<1x125x80xi32, #tpu.memory_space<hbm>>
      %dma_start3A_29 = tpu.memref_squeeze %dma_start3A_28 : memref<1x125x80xi32, #tpu.memory_space<hbm>> -> memref<125x80xi32, #tpu.memory_space<hbm>>
      tpu.enqueue_dma source(%dma_start3A_29 : memref<125x80xi32, #tpu.memory_space<hbm>>) target(%arg8 : memref<125x80xi32, #tpu.memory_space<vmem>>) target_semaphore(%run_scoped3A_21 : memref<!tpu.dma_semaphore, #tpu.memory_space<semaphore_mem>>)
      %dma_wait3A_30 = arith.constant 0 : i32
      %dma_wait3A_31 = arith.constant 0 : i32
      %dma_wait3A_32 = tpu.memref_slice %arg4[%add3A, %dma_wait3A_30, %dma_wait3A_31] : memref<32x125x80xi32, #tpu.memory_space<hbm>> -> memref<1x125x80xi32, #tpu.memory_space<hbm>>
      %dma_wait3A_33 = tpu.memref_squeeze %dma_wait3A_32 : memref<1x125x80xi32, #tpu.memory_space<hbm>> -> memref<125x80xi32, #tpu.memory_space<hbm>>
      %dma_wait3A_34 = arith.constant 0 : i32
      %dma_wait3A_35 = arith.constant 0 : i32
      %dma_wait3A_36 = tpu.memref_slice %arg4[%add3A, %dma_wait3A_34, %dma_wait3A_35] : memref<32x125x80xi32, #tpu.memory_space<hbm>> -> memref<1x125x80xi32, #tpu.memory_space<hbm>>
      %dma_wait3A_37 = tpu.memref_squeeze %dma_wait3A_36 : memref<1x125x80xi32, #tpu.memory_space<hbm>> -> memref<125x80xi32, #tpu.memory_space<hbm>>
      tpu.wait_dma2 semaphore(%run_scoped3A_21 : memref<!tpu.dma_semaphore, #tpu.memory_space<semaphore_mem>>) src(%dma_wait3A_37 : memref<125x80xi32, #tpu.memory_space<hbm>>) dst(%arg8 : memref<125x80xi32, #tpu.memory_space<vmem>>)
      tpu.yield
    }) : () -> ()
    %barrier3A = arith.constant 0 : index
    tpu.barrier barrier_id(%barrier3A)
    %dma_start3A = arith.constant 0 : i32
    %dma_start3A_3 = arith.constant 0 : i32
    %dma_start3A_4 = tpu.memref_slice %arg7[%dma_start3A, %dma_start3A_3] : memref<125x80xi32, #tpu.memory_space<vmem>> -> memref<1x80xi32, #tpu.memory_space<vmem>>
    %dma_start3A_5 = tpu.memref_squeeze %dma_start3A_4 : memref<1x80xi32, #tpu.memory_space<vmem>> -> memref<80xi32, #tpu.memory_space<vmem>>
    %dma_start3A_6 = arith.constant 0 : i32
    %dma_start3A_7 = arith.constant 0 : i32
    %dma_start3A_8 = tpu.memref_slice %arg2[%dma_start3A_6, %dma_start3A_7] : memref<10000x128xf32, #tpu.memory_space<hbm>> -> memref<10000x128xf32, #tpu.memory_space<hbm>>
    tpu.enqueue_indirect_dma source(%dma_start3A_8 : memref<10000x128xf32, #tpu.memory_space<hbm>>) target(%arg9 : memref<80x128xf32, #tpu.memory_space<vmem>>) offsets(%dma_start3A_5 : memref<80xi32, #tpu.memory_space<vmem>>) semaphore(%arg11 : memref<!tpu.dma_semaphore, #tpu.memory_space<semaphore_mem>>)
    %scan3A = arith.constant 0 : i32
    %scan3A_9 = arith.constant 0 : i32
    %scan3A_10 = arith.constant 124 : i32
    %scan3A_11 = arith.addi %scan3A_9, %scan3A_10 : i32
    %scan3A_12 = arith.constant 1 : i32
    scf.for %scan3A_21 = %scan3A_9 to %scan3A_11 step %scan3A_12  : i32 {
      %mul3A_22 = arith.constant 1 : i32
      %mul3A_23 = arith.muli %scan3A_21, %mul3A_22 : i32
      %add3A_24 = arith.constant 0 : i32
      %add3A_25 = arith.addi %mul3A_23, %add3A_24 : i32
      %dma_wait3A_26 = arith.constant 0 : i32
      %dma_wait3A_27 = tpu.memref_slice %arg7[%add3A_25, %dma_wait3A_26] : memref<125x80xi32, #tpu.memory_space<vmem>> -> memref<1x80xi32, #tpu.memory_space<vmem>>
      %dma_wait3A_28 = tpu.memref_squeeze %dma_wait3A_27 : memref<1x80xi32, #tpu.memory_space<vmem>> -> memref<80xi32, #tpu.memory_space<vmem>>
      %dma_wait3A_29 = arith.constant 0 : i32
      %dma_wait3A_30 = arith.constant 0 : i32
      %dma_wait3A_31 = tpu.memref_slice %arg2[%dma_wait3A_29, %dma_wait3A_30] : memref<10000x128xf32, #tpu.memory_space<hbm>> -> memref<10000x128xf32, #tpu.memory_space<hbm>>
      tpu.wait_indirect_dma semaphore(%arg11 : memref<!tpu.dma_semaphore, #tpu.memory_space<semaphore_mem>>) src(%dma_wait3A_31 : memref<10000x128xf32, #tpu.memory_space<hbm>>) dst(%arg9 : memref<80x128xf32, #tpu.memory_space<vmem>>)
      "tpu.region"() ({
        %run_scoped3A_40 = tpu.sem_alloc : memref<!tpu.dma_semaphore, #tpu.memory_space<semaphore_mem>>
        %dma_start3A_41 = arith.constant 0 : i32
        %dma_start3A_42 = tpu.memref_slice %arg8[%add3A_25, %dma_start3A_41] : memref<125x80xi32, #tpu.memory_space<vmem>> -> memref<1x80xi32, #tpu.memory_space<vmem>>
        %dma_start3A_43 = tpu.memref_squeeze %dma_start3A_42 : memref<1x80xi32, #tpu.memory_space<vmem>> -> memref<80xi32, #tpu.memory_space<vmem>>
        %dma_start3A_44 = arith.constant 0 : i32
        %dma_start3A_45 = arith.constant 0 : i32
        %dma_start3A_46 = tpu.memref_slice %arg10[%dma_start3A_44, %dma_start3A_45] : memref<10240x128xf32, #tpu.memory_space<vmem_shared>> -> memref<10240x128xf32, #tpu.memory_space<vmem_shared>>
        tpu.enqueue_indirect_dma source(%arg9 : memref<80x128xf32, #tpu.memory_space<vmem>>) target(%dma_start3A_46 : memref<10240x128xf32, #tpu.memory_space<vmem_shared>>) offsets(%dma_start3A_43 : memref<80xi32, #tpu.memory_space<vmem>>) semaphore(%run_scoped3A_40 : memref<!tpu.dma_semaphore, #tpu.memory_space<semaphore_mem>>) {add = true}
        %dma_wait3A_47 = arith.constant 0 : i32
        %dma_wait3A_48 = tpu.memref_slice %arg8[%add3A_25, %dma_wait3A_47] : memref<125x80xi32, #tpu.memory_space<vmem>> -> memref<1x80xi32, #tpu.memory_space<vmem>>
        %dma_wait3A_49 = tpu.memref_squeeze %dma_wait3A_48 : memref<1x80xi32, #tpu.memory_space<vmem>> -> memref<80xi32, #tpu.memory_space<vmem>>
        %dma_wait3A_50 = arith.constant 0 : i32
        %dma_wait3A_51 = arith.constant 0 : i32
        %dma_wait3A_52 = tpu.memref_slice %arg10[%dma_wait3A_50, %dma_wait3A_51] : memref<10240x128xf32, #tpu.memory_space<vmem_shared>> -> memref<10240x128xf32, #tpu.memory_space<vmem_shared>>
        tpu.wait_indirect_dma semaphore(%run_scoped3A_40 : memref<!tpu.dma_semaphore, #tpu.memory_space<semaphore_mem>>) src(%arg9 : memref<80x128xf32, #tpu.memory_space<vmem>>) dst(%dma_wait3A_52 : memref<10240x128xf32, #tpu.memory_space<vmem_shared>>)
        tpu.yield
      }) : () -> ()
      %add3A_32 = arith.constant 1 : i32
      %add3A_33 = arith.addi %add3A_25, %add3A_32 : i32
      %dma_start3A_34 = arith.constant 0 : i32
      %dma_start3A_35 = tpu.memref_slice %arg7[%add3A_33, %dma_start3A_34] : memref<125x80xi32, #tpu.memory_space<vmem>> -> memref<1x80xi32, #tpu.memory_space<vmem>>
      %dma_start3A_36 = tpu.memref_squeeze %dma_start3A_35 : memref<1x80xi32, #tpu.memory_space<vmem>> -> memref<80xi32, #tpu.memory_space<vmem>>
      %dma_start3A_37 = arith.constant 0 : i32
      %dma_start3A_38 = arith.constant 0 : i32
      %dma_start3A_39 = tpu.memref_slice %arg2[%dma_start3A_37, %dma_start3A_38] : memref<10000x128xf32, #tpu.memory_space<hbm>> -> memref<10000x128xf32, #tpu.memory_space<hbm>>
      tpu.enqueue_indirect_dma source(%dma_start3A_39 : memref<10000x128xf32, #tpu.memory_space<hbm>>) target(%arg9 : memref<80x128xf32, #tpu.memory_space<vmem>>) offsets(%dma_start3A_36 : memref<80xi32, #tpu.memory_space<vmem>>) semaphore(%arg11 : memref<!tpu.dma_semaphore, #tpu.memory_space<semaphore_mem>>)
    }
    %scan3A_13 = arith.constant 124 : i32
    %dma_wait3A = arith.constant 124 : i32
    %dma_wait3A_14 = arith.constant 0 : i32
    %dma_wait3A_15 = tpu.memref_slice %arg7[%dma_wait3A, %dma_wait3A_14] : memref<125x80xi32, #tpu.memory_space<vmem>> -> memref<1x80xi32, #tpu.memory_space<vmem>>
    %dma_wait3A_16 = tpu.memref_squeeze %dma_wait3A_15 : memref<1x80xi32, #tpu.memory_space<vmem>> -> memref<80xi32, #tpu.memory_space<vmem>>
    %dma_wait3A_17 = arith.constant 0 : i32
    %dma_wait3A_18 = arith.constant 0 : i32
    %dma_wait3A_19 = tpu.memref_slice %arg2[%dma_wait3A_17, %dma_wait3A_18] : memref<10000x128xf32, #tpu.memory_space<hbm>> -> memref<10000x128xf32, #tpu.memory_space<hbm>>
    tpu.wait_indirect_dma semaphore(%arg11 : memref<!tpu.dma_semaphore, #tpu.memory_space<semaphore_mem>>) src(%dma_wait3A_19 : memref<10000x128xf32, #tpu.memory_space<hbm>>) dst(%arg9 : memref<80x128xf32, #tpu.memory_space<vmem>>)
    %run_scoped3A = arith.constant 124 : i32
    "tpu.region"() ({
      %run_scoped3A_21 = tpu.sem_alloc : memref<!tpu.dma_semaphore, #tpu.memory_space<semaphore_mem>>
      %dma_start3A_22 = arith.constant 0 : i32
      %dma_start3A_23 = tpu.memref_slice %arg8[%run_scoped3A, %dma_start3A_22] : memref<125x80xi32, #tpu.memory_space<vmem>> -> memref<1x80xi32, #tpu.memory_space<vmem>>
      %dma_start3A_24 = tpu.memref_squeeze %dma_start3A_23 : memref<1x80xi32, #tpu.memory_space<vmem>> -> memref<80xi32, #tpu.memory_space<vmem>>
      %dma_start3A_25 = arith.constant 0 : i32
      %dma_start3A_26 = arith.constant 0 : i32
      %dma_start3A_27 = tpu.memref_slice %arg10[%dma_start3A_25, %dma_start3A_26] : memref<10240x128xf32, #tpu.memory_space<vmem_shared>> -> memref<10240x128xf32, #tpu.memory_space<vmem_shared>>
      tpu.enqueue_indirect_dma source(%arg9 : memref<80x128xf32, #tpu.memory_space<vmem>>) target(%dma_start3A_27 : memref<10240x128xf32, #tpu.memory_space<vmem_shared>>) offsets(%dma_start3A_24 : memref<80xi32, #tpu.memory_space<vmem>>) semaphore(%run_scoped3A_21 : memref<!tpu.dma_semaphore, #tpu.memory_space<semaphore_mem>>) {add = true}
      %dma_wait3A_28 = arith.constant 0 : i32
      %dma_wait3A_29 = tpu.memref_slice %arg8[%run_scoped3A, %dma_wait3A_28] : memref<125x80xi32, #tpu.memory_space<vmem>> -> memref<1x80xi32, #tpu.memory_space<vmem>>
      %dma_wait3A_30 = tpu.memref_squeeze %dma_wait3A_29 : memref<1x80xi32, #tpu.memory_space<vmem>> -> memref<80xi32, #tpu.memory_space<vmem>>
      %dma_wait3A_31 = arith.constant 0 : i32
      %dma_wait3A_32 = arith.constant 0 : i32
      %dma_wait3A_33 = tpu.memref_slice %arg10[%dma_wait3A_31, %dma_wait3A_32] : memref<10240x128xf32, #tpu.memory_space<vmem_shared>> -> memref<10240x128xf32, #tpu.memory_space<vmem_shared>>
      tpu.wait_indirect_dma semaphore(%run_scoped3A_21 : memref<!tpu.dma_semaphore, #tpu.memory_space<semaphore_mem>>) src(%arg9 : memref<80x128xf32, #tpu.memory_space<vmem>>) dst(%dma_wait3A_33 : memref<10240x128xf32, #tpu.memory_space<vmem_shared>>)
      tpu.yield
    }) : () -> ()
    %barrier3A_20 = arith.constant 0 : index
    tpu.barrier barrier_id(%barrier3A_20)
    "tpu.region"() ({
      %run_scoped3A_21 = tpu.sem_alloc : memref<!tpu.dma_semaphore, #tpu.memory_space<semaphore_mem>>
      %dma_start3A_22 = arith.constant 0 : i32
      %dma_start3A_23 = arith.constant 0 : i32
      %dma_start3A_24 = tpu.memref_slice %arg6[%arg0, %dma_start3A_22, %dma_start3A_23] : memref<2x10240x128xf32, #tpu.memory_space<hbm>> -> memref<1x10240x128xf32, #tpu.memory_space<hbm>>
      %dma_start3A_25 = tpu.memref_squeeze %dma_start3A_24 : memref<1x10240x128xf32, #tpu.memory_space<hbm>> -> memref<10240x128xf32, #tpu.memory_space<hbm>>
      %dma_start3A_26 = arith.constant 0 : i32
      %dma_start3A_27 = tpu.memref_slice %dma_start3A_25[%mul3A_2, %dma_start3A_26] : memref<10240x128xf32, #tpu.memory_space<hbm>> -> memref<640x128xf32, #tpu.memory_space<hbm>>
      %dma_start3A_28 = arith.constant 0 : i32
      %dma_start3A_29 = tpu.memref_slice %arg10[%mul3A_2, %dma_start3A_28] : memref<10240x128xf32, #tpu.memory_space<vmem_shared>> -> memref<640x128xf32, #tpu.memory_space<vmem_shared>>
      tpu.enqueue_dma source(%dma_start3A_29 : memref<640x128xf32, #tpu.memory_space<vmem_shared>>) target(%dma_start3A_27 : memref<640x128xf32, #tpu.memory_space<hbm>>) target_semaphore(%run_scoped3A_21 : memref<!tpu.dma_semaphore, #tpu.memory_space<semaphore_mem>>)
      %dma_wait3A_30 = arith.constant 0 : i32
      %dma_wait3A_31 = arith.constant 0 : i32
      %dma_wait3A_32 = tpu.memref_slice %arg6[%arg0, %dma_wait3A_30, %dma_wait3A_31] : memref<2x10240x128xf32, #tpu.memory_space<hbm>> -> memref<1x10240x128xf32, #tpu.memory_space<hbm>>
      %dma_wait3A_33 = tpu.memref_squeeze %dma_wait3A_32 : memref<1x10240x128xf32, #tpu.memory_space<hbm>> -> memref<10240x128xf32, #tpu.memory_space<hbm>>
      %dma_wait3A_34 = arith.constant 0 : i32
      %dma_wait3A_35 = tpu.memref_slice %dma_wait3A_33[%mul3A_2, %dma_wait3A_34] : memref<10240x128xf32, #tpu.memory_space<hbm>> -> memref<640x128xf32, #tpu.memory_space<hbm>>
      %dma_wait3A_36 = arith.constant 0 : i32
      %dma_wait3A_37 = tpu.memref_slice %arg10[%mul3A_2, %dma_wait3A_36] : memref<10240x128xf32, #tpu.memory_space<vmem_shared>> -> memref<640x128xf32, #tpu.memory_space<vmem_shared>>
      tpu.wait_dma2 semaphore(%run_scoped3A_21 : memref<!tpu.dma_semaphore, #tpu.memory_space<semaphore_mem>>) src(%dma_wait3A_37 : memref<640x128xf32, #tpu.memory_space<vmem_shared>>) dst(%dma_wait3A_35 : memref<640x128xf32, #tpu.memory_space<hbm>>)
      tpu.yield
    }) : () -> ()
    return
  }
}

module attributes {stable_mosaic.version = 14 : i64} {
  func.func @_tc2_body(%arg0: i32, %arg1: memref<2x1000x128xf32, #tpu.memory_space<vmem>>, %arg2: memref<1000x128xf32, #tpu.memory_space<vmem>>, %arg3: memref<2x1000x128xf32, #tpu.memory_space<vmem>>, %arg4: memref<2x1000x128xf32, #tpu.memory_space<vmem>>, %arg5: memref<128x128xf32, #tpu.memory_space<vmem>>, %arg6: memref<1x128xf32, #tpu.memory_space<vmem>>, %arg7: memref<1000x128xf32, #tpu.memory_space<vmem>>) attributes {dimension_semantics = [#tpu.dimension_semantics<arbitrary>], iteration_bounds = array<i64: 10>, scalar_prefetch = 0 : i64, scratch_operands = 0 : i64, tpu.core_type = #tpu.core_type<tc>, window_params = [{transform_indices = @transform_0, window_bounds = array<i64: 2, 1000, 128>}, {transform_indices = @transform_1, window_bounds = array<i64: 1000, 128>}, {transform_indices = @transform_2, window_bounds = array<i64: 2, 1000, 128>}, {transform_indices = @transform_3, window_bounds = array<i64: 2, 1000, 128>}, {pipeline_mode = #tpu.pipeline_mode<synchronous>, transform_indices = @transform_4, window_bounds = array<i64: 128, 128>}, {pipeline_mode = #tpu.pipeline_mode<synchronous>, transform_indices = @transform_5, window_bounds = array<i64: 1, 128>}, {transform_indices = @transform_6, window_bounds = array<i64: 1000, 128>}]} {
    %get3A = arith.constant 0 : index
    %get3A_0 = arith.constant 0 : index
    %get3A_1 = arith.constant 0 : index
    %get3A_2 = vector.load %arg1[%get3A, %get3A_0, %get3A_1] : memref<2x1000x128xf32, #tpu.memory_space<vmem>>, vector<1x1000x128xf32>
    %get3A_3 = vector.shape_cast %get3A_2 : vector<1x1000x128xf32> to vector<1000x128xf32>
    %get3A_4 = arith.constant 1 : index
    %get3A_5 = arith.constant 0 : index
    %get3A_6 = arith.constant 0 : index
    %get3A_7 = vector.load %arg1[%get3A_4, %get3A_5, %get3A_6] : memref<2x1000x128xf32, #tpu.memory_space<vmem>>, vector<1x1000x128xf32>
    %get3A_8 = vector.shape_cast %get3A_7 : vector<1x1000x128xf32> to vector<1000x128xf32>
    %add3A = arith.addf %get3A_3, %get3A_8 : vector<1000x128xf32>
    %get3A_9 = arith.constant 0 : index
    %get3A_10 = arith.constant 0 : index
    %get3A_11 = arith.constant 0 : index
    %get3A_12 = vector.load %arg4[%get3A_9, %get3A_10, %get3A_11] : memref<2x1000x128xf32, #tpu.memory_space<vmem>>, vector<1x1000x1xf32>
    %get3A_13 = vector.shape_cast %get3A_12 : vector<1x1000x1xf32> to vector<1000xf32>
    %get3A_14 = arith.constant 1 : index
    %get3A_15 = arith.constant 0 : index
    %get3A_16 = arith.constant 0 : index
    %get3A_17 = vector.load %arg4[%get3A_14, %get3A_15, %get3A_16] : memref<2x1000x128xf32, #tpu.memory_space<vmem>>, vector<1x1000x1xf32>
    %get3A_18 = vector.shape_cast %get3A_17 : vector<1x1000x1xf32> to vector<1000xf32>
    %add3A_19 = arith.addf %get3A_13, %get3A_18 : vector<1000xf32>
    %max3A = arith.constant 1.000000e+00 : f32
    %max3A_20 = vector.broadcast %max3A : f32 to vector<1000xf32>
    %max3A_21 = arith.maximumf %add3A_19, %max3A_20 : vector<1000xf32>
    %rsqrt3A = math.rsqrt %max3A_21 : vector<1000xf32>
    %broadcast_in_dim3A = vector.shape_cast %rsqrt3A : vector<1000xf32> to vector<1000x1xf32>
    %mul3A = vector.broadcast %broadcast_in_dim3A : vector<1000x1xf32> to vector<1000x128xf32>
    %mul3A_22 = arith.mulf %add3A, %mul3A : vector<1000x128xf32>
    %mul3A_23 = arith.constant 8.000000e-01 : f32
    %mul3A_24 = vector.broadcast %mul3A_23 : f32 to vector<1000x128xf32>
    %mul3A_25 = arith.mulf %mul3A_24, %mul3A_22 : vector<1000x128xf32>
    %get3A_26 = arith.constant 0 : index
    %get3A_27 = arith.constant 0 : index
    %get3A_28 = vector.load %arg2[%get3A_26, %get3A_27] : memref<1000x128xf32, #tpu.memory_space<vmem>>, vector<1000x128xf32>
    %mul3A_29 = arith.constant 2.000000e-01 : f32
    %mul3A_30 = vector.broadcast %mul3A_29 : f32 to vector<1000x128xf32>
    %mul3A_31 = arith.mulf %mul3A_30, %get3A_28 : vector<1000x128xf32>
    %add3A_32 = arith.addf %mul3A_25, %mul3A_31 : vector<1000x128xf32>
    %mul3A_33 = arith.constant 0.306852818 : f32
    %mul3A_34 = vector.broadcast %mul3A_33 : f32 to vector<1000x128xf32>
    %mul3A_35 = arith.mulf %mul3A_34, %add3A_32 : vector<1000x128xf32>
    %get3A_36 = arith.constant 0 : index
    %get3A_37 = arith.constant 0 : index
    %get3A_38 = vector.load %arg5[%get3A_36, %get3A_37] : memref<128x128xf32, #tpu.memory_space<vmem>>, vector<128x128xf32>
    %dot_general3A = arith.constant dense<0.000000e+00> : vector<1000x128xf32>
    %dot_general3A_39 = tpu.matmul %add3A_32, %get3A_38, %dot_general3A {dimension_numbers = #tpu.dot_dimension_numbers<[1], [0], [0], [1], [0, 0, 1, 1], [], []>, transpose_lhs_hint = false} : vector<1000x128xf32>, vector<128x128xf32>, vector<1000x128xf32> -> vector<1000x128xf32>
    %mul3A_40 = arith.constant 0.693147182 : f32
    %mul3A_41 = vector.broadcast %mul3A_40 : f32 to vector<1000x128xf32>
    %mul3A_42 = arith.mulf %mul3A_41, %dot_general3A_39 : vector<1000x128xf32>
    %add3A_43 = arith.addf %mul3A_35, %mul3A_42 : vector<1000x128xf32>
    %get3A_44 = arith.constant 0 : index
    %get3A_45 = arith.constant 0 : index
    %get3A_46 = vector.load %arg6[%get3A_44, %get3A_45] : memref<1x128xf32, #tpu.memory_space<vmem>>, vector<1x128xf32>
    %add3A_47 = vector.broadcast %get3A_46 : vector<1x128xf32> to vector<1000x128xf32>
    %add3A_48 = arith.addf %add3A_43, %add3A_47 : vector<1000x128xf32>
    %max3A_49 = arith.constant 0.000000e+00 : f32
    %max3A_50 = vector.broadcast %max3A_49 : f32 to vector<1000x128xf32>
    %max3A_51 = arith.maximumf %add3A_48, %max3A_50 : vector<1000x128xf32>
    %get3A_52 = arith.constant 0 : index
    %get3A_53 = arith.constant 0 : index
    %get3A_54 = arith.constant 0 : index
    %get3A_55 = vector.load %arg3[%get3A_52, %get3A_53, %get3A_54] : memref<2x1000x128xf32, #tpu.memory_space<vmem>>, vector<1x1000x1xf32>
    %get3A_56 = vector.shape_cast %get3A_55 : vector<1x1000x1xf32> to vector<1000xf32>
    %get3A_57 = arith.constant 1 : index
    %get3A_58 = arith.constant 0 : index
    %get3A_59 = arith.constant 0 : index
    %get3A_60 = vector.load %arg3[%get3A_57, %get3A_58, %get3A_59] : memref<2x1000x128xf32, #tpu.memory_space<vmem>>, vector<1x1000x1xf32>
    %get3A_61 = vector.shape_cast %get3A_60 : vector<1x1000x1xf32> to vector<1000xf32>
    %add3A_62 = arith.addf %get3A_56, %get3A_61 : vector<1000xf32>
    %max3A_63 = arith.constant 1.000000e+00 : f32
    %max3A_64 = vector.broadcast %max3A_63 : f32 to vector<1000xf32>
    %max3A_65 = arith.maximumf %add3A_62, %max3A_64 : vector<1000xf32>
    %rsqrt3A_66 = math.rsqrt %max3A_65 : vector<1000xf32>
    %broadcast_in_dim3A_67 = vector.shape_cast %rsqrt3A_66 : vector<1000xf32> to vector<1000x1xf32>
    %mul3A_68 = vector.broadcast %broadcast_in_dim3A_67 : vector<1000x1xf32> to vector<1000x128xf32>
    %mul3A_69 = arith.mulf %max3A_51, %mul3A_68 : vector<1000x128xf32>
    %swap3A = arith.constant 0 : index
    %swap3A_70 = arith.constant 0 : index
    %swap3A_71 = vector.load %arg7[%swap3A, %swap3A_70] : memref<1000x128xf32, #tpu.memory_space<vmem>>, vector<1000x128xf32>
    tpu.vector_store %arg7[%swap3A, %swap3A_70], %mul3A_69 {strides = array<i32>} : memref<1000x128xf32, #tpu.memory_space<vmem>>, vector<1000x128xf32>,
    return
  }
  func.func @transform_0(%arg0: i32) -> (i32, i32, i32) {
    %c0_i32 = arith.constant 0 : i32
    %c0_i32_0 = arith.constant 0 : i32
    %c0_i32_1 = arith.constant 0 : i32
    return %c0_i32, %arg0, %c0_i32_0 : i32, i32, i32
  }
  func.func @transform_1(%arg0: i32) -> (i32, i32) {
    %c0_i32 = arith.constant 0 : i32
    %c0_i32_0 = arith.constant 0 : i32
    return %arg0, %c0_i32 : i32, i32
  }
  func.func @transform_2(%arg0: i32) -> (i32, i32, i32) {
    %c0_i32 = arith.constant 0 : i32
    %c0_i32_0 = arith.constant 0 : i32
    %c0_i32_1 = arith.constant 0 : i32
    return %c0_i32, %arg0, %c0_i32_0 : i32, i32, i32
  }
  func.func @transform_3(%arg0: i32) -> (i32, i32, i32) {
    %c0_i32 = arith.constant 0 : i32
    %c0_i32_0 = arith.constant 0 : i32
    %c0_i32_1 = arith.constant 0 : i32
    return %c0_i32, %arg0, %c0_i32_0 : i32, i32, i32
  }
  func.func @transform_4(%arg0: i32) -> (i32, i32) {
    %c0_i32 = arith.constant 0 : i32
    %c0_i32_0 = arith.constant 0 : i32
    %c0_i32_1 = arith.constant 0 : i32
    return %c0_i32, %c0_i32_0 : i32, i32
  }
  func.func @transform_5(%arg0: i32) -> (i32, i32) {
    %c0_i32 = arith.constant 0 : i32
    %c0_i32_0 = arith.constant 0 : i32
    %c0_i32_1 = arith.constant 0 : i32
    return %c0_i32, %c0_i32_0 : i32, i32
  }
  func.func @transform_6(%arg0: i32) -> (i32, i32) {
    %c0_i32 = arith.constant 0 : i32
    %c0_i32_0 = arith.constant 0 : i32
    return %arg0, %c0_i32 : i32, i32
  }
}

module attributes {stable_mosaic.version = 14 : i64} {
  func.func @_tc1_body(%arg0: i32, %arg1: memref<1000x128xf32, #tpu.memory_space<vmem>>, %arg2: memref<128x128xf32, #tpu.memory_space<vmem>>, %arg3: memref<1x128xf32, #tpu.memory_space<vmem>>, %arg4: memref<2x1000x128xf32, #tpu.memory_space<vmem>>, %arg5: memref<1000x128xf32, #tpu.memory_space<vmem>>, %arg6: memref<1000x128xf32, #tpu.memory_space<vmem>>) attributes {dimension_semantics = [#tpu.dimension_semantics<arbitrary>], iteration_bounds = array<i64: 10>, scalar_prefetch = 0 : i64, scratch_operands = 0 : i64, tpu.core_type = #tpu.core_type<tc>, window_params = [{transform_indices = @transform_0, window_bounds = array<i64: 1000, 128>}, {pipeline_mode = #tpu.pipeline_mode<synchronous>, transform_indices = @transform_1, window_bounds = array<i64: 128, 128>}, {pipeline_mode = #tpu.pipeline_mode<synchronous>, transform_indices = @transform_2, window_bounds = array<i64: 1, 128>}, {transform_indices = @transform_3, window_bounds = array<i64: 2, 1000, 128>}, {transform_indices = @transform_4, window_bounds = array<i64: 1000, 128>}, {transform_indices = @transform_5, window_bounds = array<i64: 1000, 128>}]} {
    %get3A = arith.constant 0 : index
    %get3A_0 = arith.constant 0 : index
    %get3A_1 = vector.load %arg1[%get3A, %get3A_0] : memref<1000x128xf32, #tpu.memory_space<vmem>>, vector<1000x128xf32>
    %get3A_2 = arith.constant 0 : index
    %get3A_3 = arith.constant 0 : index
    %get3A_4 = vector.load %arg2[%get3A_2, %get3A_3] : memref<128x128xf32, #tpu.memory_space<vmem>>, vector<128x128xf32>
    %dot_general3A = arith.constant dense<0.000000e+00> : vector<1000x128xf32>
    %dot_general3A_5 = tpu.matmul %get3A_1, %get3A_4, %dot_general3A {dimension_numbers = #tpu.dot_dimension_numbers<[1], [1], [0], [0], [0, 0, 1, 0], [], []>, transpose_lhs_hint = false} : vector<1000x128xf32>, vector<128x128xf32>, vector<1000x128xf32> -> vector<1000x128xf32>
    %get3A_6 = arith.constant 0 : index
    %get3A_7 = arith.constant 0 : index
    %get3A_8 = vector.load %arg3[%get3A_6, %get3A_7] : memref<1x128xf32, #tpu.memory_space<vmem>>, vector<1x128xf32>
    %add3A = vector.broadcast %get3A_8 : vector<1x128xf32> to vector<1000x128xf32>
    %add3A_9 = arith.addf %dot_general3A_5, %add3A : vector<1000x128xf32>
    %max3A = arith.constant 0.000000e+00 : f32
    %max3A_10 = vector.broadcast %max3A : f32 to vector<1000x128xf32>
    %max3A_11 = arith.maximumf %add3A_9, %max3A_10 : vector<1000x128xf32>
    %swap3A = arith.constant 0 : index
    %swap3A_12 = arith.constant 0 : index
    %swap3A_13 = vector.load %arg5[%swap3A, %swap3A_12] : memref<1000x128xf32, #tpu.memory_space<vmem>>, vector<1000x128xf32>
    tpu.vector_store %arg5[%swap3A, %swap3A_12], %max3A_11 {strides = array<i32>} : memref<1000x128xf32, #tpu.memory_space<vmem>>, vector<1000x128xf32>,
    %get3A_14 = arith.constant 0 : index
    %get3A_15 = arith.constant 0 : index
    %get3A_16 = arith.constant 0 : index
    %get3A_17 = vector.load %arg4[%get3A_14, %get3A_15, %get3A_16] : memref<2x1000x128xf32, #tpu.memory_space<vmem>>, vector<1x1000x1xf32>
    %get3A_18 = vector.shape_cast %get3A_17 : vector<1x1000x1xf32> to vector<1000xf32>
    %get3A_19 = arith.constant 1 : index
    %get3A_20 = arith.constant 0 : index
    %get3A_21 = arith.constant 0 : index
    %get3A_22 = vector.load %arg4[%get3A_19, %get3A_20, %get3A_21] : memref<2x1000x128xf32, #tpu.memory_space<vmem>>, vector<1x1000x1xf32>
    %get3A_23 = vector.shape_cast %get3A_22 : vector<1x1000x1xf32> to vector<1000xf32>
    %add3A_24 = arith.addf %get3A_18, %get3A_23 : vector<1000xf32>
    %max3A_25 = arith.constant 1.000000e+00 : f32
    %max3A_26 = vector.broadcast %max3A_25 : f32 to vector<1000xf32>
    %max3A_27 = arith.maximumf %add3A_24, %max3A_26 : vector<1000xf32>
    %rsqrt3A = math.rsqrt %max3A_27 : vector<1000xf32>
    %broadcast_in_dim3A = vector.shape_cast %rsqrt3A : vector<1000xf32> to vector<1000x1xf32>
    %mul3A = vector.broadcast %broadcast_in_dim3A : vector<1000x1xf32> to vector<1000x128xf32>
    %mul3A_28 = arith.mulf %max3A_11, %mul3A : vector<1000x128xf32>
    %swap3A_29 = arith.constant 0 : index
    %swap3A_30 = arith.constant 0 : index
    %swap3A_31 = vector.load %arg6[%swap3A_29, %swap3A_30] : memref<1000x128xf32, #tpu.memory_space<vmem>>, vector<1000x128xf32>
    tpu.vector_store %arg6[%swap3A_29, %swap3A_30], %mul3A_28 {strides = array<i32>} : memref<1000x128xf32, #tpu.memory_space<vmem>>, vector<1000x128xf32>,
    return
  }
  func.func @transform_0(%arg0: i32) -> (i32, i32) {
    %c0_i32 = arith.constant 0 : i32
    %c0_i32_0 = arith.constant 0 : i32
    return %arg0, %c0_i32 : i32, i32
  }
  func.func @transform_1(%arg0: i32) -> (i32, i32) {
    %c0_i32 = arith.constant 0 : i32
    %c0_i32_0 = arith.constant 0 : i32
    %c0_i32_1 = arith.constant 0 : i32
    return %c0_i32, %c0_i32_0 : i32, i32
  }
  func.func @transform_2(%arg0: i32) -> (i32, i32) {
    %c0_i32 = arith.constant 0 : i32
    %c0_i32_0 = arith.constant 0 : i32
    %c0_i32_1 = arith.constant 0 : i32
    return %c0_i32, %c0_i32_0 : i32, i32
  }
  func.func @transform_3(%arg0: i32) -> (i32, i32, i32) {
    %c0_i32 = arith.constant 0 : i32
    %c0_i32_0 = arith.constant 0 : i32
    %c0_i32_1 = arith.constant 0 : i32
    return %c0_i32, %arg0, %c0_i32_0 : i32, i32, i32
  }
  func.func @transform_4(%arg0: i32) -> (i32, i32) {
    %c0_i32 = arith.constant 0 : i32
    %c0_i32_0 = arith.constant 0 : i32
    return %arg0, %c0_i32 : i32, i32
  }
  func.func @transform_5(%arg0: i32) -> (i32, i32) {
    %c0_i32 = arith.constant 0 : i32
    %c0_i32_0 = arith.constant 0 : i32
    return %arg0, %c0_i32 : i32, i32
  }
}

module attributes {stable_mosaic.version = 14 : i64} {
  func.func @_tc3_body(%arg0: i32, %arg1: memref<2x1000x128xf32, #tpu.memory_space<vmem>>, %arg2: memref<1000x128xf32, #tpu.memory_space<vmem>>, %arg3: memref<2x1000x128xf32, #tpu.memory_space<vmem>>, %arg4: memref<128x128xf32, #tpu.memory_space<vmem>>, %arg5: memref<1x128xf32, #tpu.memory_space<vmem>>, %arg6: memref<128x128xf32, #tpu.memory_space<vmem>>, %arg7: memref<1x128xf32, #tpu.memory_space<vmem>>, %arg8: memref<1000x128xf32, #tpu.memory_space<vmem>>) attributes {dimension_semantics = [#tpu.dimension_semantics<arbitrary>], iteration_bounds = array<i64: 10>, scalar_prefetch = 0 : i64, scratch_operands = 0 : i64, tpu.core_type = #tpu.core_type<tc>, window_params = [{transform_indices = @transform_0, window_bounds = array<i64: 2, 1000, 128>}, {transform_indices = @transform_1, window_bounds = array<i64: 1000, 128>}, {transform_indices = @transform_2, window_bounds = array<i64: 2, 1000, 128>}, {pipeline_mode = #tpu.pipeline_mode<synchronous>, transform_indices = @transform_3, window_bounds = array<i64: 128, 128>}, {pipeline_mode = #tpu.pipeline_mode<synchronous>, transform_indices = @transform_4, window_bounds = array<i64: 1, 128>}, {pipeline_mode = #tpu.pipeline_mode<synchronous>, transform_indices = @transform_5, window_bounds = array<i64: 128, 128>}, {pipeline_mode = #tpu.pipeline_mode<synchronous>, transform_indices = @transform_6, window_bounds = array<i64: 1, 128>}, {transform_indices = @transform_7, window_bounds = array<i64: 1000, 128>}]} {
    %get3A = arith.constant 0 : index
    %get3A_0 = arith.constant 0 : index
    %get3A_1 = arith.constant 0 : index
    %get3A_2 = vector.load %arg1[%get3A, %get3A_0, %get3A_1] : memref<2x1000x128xf32, #tpu.memory_space<vmem>>, vector<1x1000x128xf32>
    %get3A_3 = vector.shape_cast %get3A_2 : vector<1x1000x128xf32> to vector<1000x128xf32>
    %get3A_4 = arith.constant 1 : index
    %get3A_5 = arith.constant 0 : index
    %get3A_6 = arith.constant 0 : index
    %get3A_7 = vector.load %arg1[%get3A_4, %get3A_5, %get3A_6] : memref<2x1000x128xf32, #tpu.memory_space<vmem>>, vector<1x1000x128xf32>
    %get3A_8 = vector.shape_cast %get3A_7 : vector<1x1000x128xf32> to vector<1000x128xf32>
    %add3A = arith.addf %get3A_3, %get3A_8 : vector<1000x128xf32>
    %get3A_9 = arith.constant 0 : index
    %get3A_10 = arith.constant 0 : index
    %get3A_11 = arith.constant 0 : index
    %get3A_12 = vector.load %arg3[%get3A_9, %get3A_10, %get3A_11] : memref<2x1000x128xf32, #tpu.memory_space<vmem>>, vector<1x1000x1xf32>
    %get3A_13 = vector.shape_cast %get3A_12 : vector<1x1000x1xf32> to vector<1000xf32>
    %get3A_14 = arith.constant 1 : index
    %get3A_15 = arith.constant 0 : index
    %get3A_16 = arith.constant 0 : index
    %get3A_17 = vector.load %arg3[%get3A_14, %get3A_15, %get3A_16] : memref<2x1000x128xf32, #tpu.memory_space<vmem>>, vector<1x1000x1xf32>
    %get3A_18 = vector.shape_cast %get3A_17 : vector<1x1000x1xf32> to vector<1000xf32>
    %add3A_19 = arith.addf %get3A_13, %get3A_18 : vector<1000xf32>
    %max3A = arith.constant 1.000000e+00 : f32
    %max3A_20 = vector.broadcast %max3A : f32 to vector<1000xf32>
    %max3A_21 = arith.maximumf %add3A_19, %max3A_20 : vector<1000xf32>
    %rsqrt3A = math.rsqrt %max3A_21 : vector<1000xf32>
    %broadcast_in_dim3A = vector.shape_cast %rsqrt3A : vector<1000xf32> to vector<1000x1xf32>
    %mul3A = vector.broadcast %broadcast_in_dim3A : vector<1000x1xf32> to vector<1000x128xf32>
    %mul3A_22 = arith.mulf %add3A, %mul3A : vector<1000x128xf32>
    %mul3A_23 = arith.constant 8.000000e-01 : f32
    %mul3A_24 = vector.broadcast %mul3A_23 : f32 to vector<1000x128xf32>
    %mul3A_25 = arith.mulf %mul3A_24, %mul3A_22 : vector<1000x128xf32>
    %get3A_26 = arith.constant 0 : index
    %get3A_27 = arith.constant 0 : index
    %get3A_28 = vector.load %arg2[%get3A_26, %get3A_27] : memref<1000x128xf32, #tpu.memory_space<vmem>>, vector<1000x128xf32>
    %mul3A_29 = arith.constant 2.000000e-01 : f32
    %mul3A_30 = vector.broadcast %mul3A_29 : f32 to vector<1000x128xf32>
    %mul3A_31 = arith.mulf %mul3A_30, %get3A_28 : vector<1000x128xf32>
    %add3A_32 = arith.addf %mul3A_25, %mul3A_31 : vector<1000x128xf32>
    %mul3A_33 = arith.constant 0.594534874 : f32
    %mul3A_34 = vector.broadcast %mul3A_33 : f32 to vector<1000x128xf32>
    %mul3A_35 = arith.mulf %mul3A_34, %add3A_32 : vector<1000x128xf32>
    %get3A_36 = arith.constant 0 : index
    %get3A_37 = arith.constant 0 : index
    %get3A_38 = vector.load %arg4[%get3A_36, %get3A_37] : memref<128x128xf32, #tpu.memory_space<vmem>>, vector<128x128xf32>
    %dot_general3A = arith.constant dense<0.000000e+00> : vector<1000x128xf32>
    %dot_general3A_39 = tpu.matmul %add3A_32, %get3A_38, %dot_general3A {dimension_numbers = #tpu.dot_dimension_numbers<[1], [0], [0], [1], [0, 0, 1, 1], [], []>, transpose_lhs_hint = false} : vector<1000x128xf32>, vector<128x128xf32>, vector<1000x128xf32> -> vector<1000x128xf32>
    %mul3A_40 = arith.constant 0.405465096 : f32
    %mul3A_41 = vector.broadcast %mul3A_40 : f32 to vector<1000x128xf32>
    %mul3A_42 = arith.mulf %mul3A_41, %dot_general3A_39 : vector<1000x128xf32>
    %add3A_43 = arith.addf %mul3A_35, %mul3A_42 : vector<1000x128xf32>
    %get3A_44 = arith.constant 0 : index
    %get3A_45 = arith.constant 0 : index
    %get3A_46 = vector.load %arg5[%get3A_44, %get3A_45] : memref<1x128xf32, #tpu.memory_space<vmem>>, vector<1x128xf32>
    %add3A_47 = vector.broadcast %get3A_46 : vector<1x128xf32> to vector<1000x128xf32>
    %add3A_48 = arith.addf %add3A_43, %add3A_47 : vector<1000x128xf32>
    %get3A_49 = arith.constant 0 : index
    %get3A_50 = arith.constant 0 : index
    %get3A_51 = vector.load %arg6[%get3A_49, %get3A_50] : memref<128x128xf32, #tpu.memory_space<vmem>>, vector<128x128xf32>
    %dot_general3A_52 = arith.constant dense<0.000000e+00> : vector<1000x128xf32>
    %dot_general3A_53 = tpu.matmul %add3A_48, %get3A_51, %dot_general3A_52 {dimension_numbers = #tpu.dot_dimension_numbers<[1], [1], [0], [0], [0, 0, 1, 0], [], []>, transpose_lhs_hint = false} : vector<1000x128xf32>, vector<128x128xf32>, vector<1000x128xf32> -> vector<1000x128xf32>
    %get3A_54 = arith.constant 0 : index
    %get3A_55 = arith.constant 0 : index
    %get3A_56 = vector.load %arg7[%get3A_54, %get3A_55] : memref<1x128xf32, #tpu.memory_space<vmem>>, vector<1x128xf32>
    %add3A_57 = vector.broadcast %get3A_56 : vector<1x128xf32> to vector<1000x128xf32>
    %add3A_58 = arith.addf %dot_general3A_53, %add3A_57 : vector<1000x128xf32>
    %swap3A = arith.constant 0 : index
    %swap3A_59 = arith.constant 0 : index
    %swap3A_60 = vector.load %arg8[%swap3A, %swap3A_59] : memref<1000x128xf32, #tpu.memory_space<vmem>>, vector<1000x128xf32>
    tpu.vector_store %arg8[%swap3A, %swap3A_59], %add3A_58 {strides = array<i32>} : memref<1000x128xf32, #tpu.memory_space<vmem>>, vector<1000x128xf32>,
    return
  }
  func.func @transform_0(%arg0: i32) -> (i32, i32, i32) {
    %c0_i32 = arith.constant 0 : i32
    %c0_i32_0 = arith.constant 0 : i32
    %c0_i32_1 = arith.constant 0 : i32
    return %c0_i32, %arg0, %c0_i32_0 : i32, i32, i32
  }
  func.func @transform_1(%arg0: i32) -> (i32, i32) {
    %c0_i32 = arith.constant 0 : i32
    %c0_i32_0 = arith.constant 0 : i32
    return %arg0, %c0_i32 : i32, i32
  }
  func.func @transform_2(%arg0: i32) -> (i32, i32, i32) {
    %c0_i32 = arith.constant 0 : i32
    %c0_i32_0 = arith.constant 0 : i32
    %c0_i32_1 = arith.constant 0 : i32
    return %c0_i32, %arg0, %c0_i32_0 : i32, i32, i32
  }
  func.func @transform_3(%arg0: i32) -> (i32, i32) {
    %c0_i32 = arith.constant 0 : i32
    %c0_i32_0 = arith.constant 0 : i32
    %c0_i32_1 = arith.constant 0 : i32
    return %c0_i32, %c0_i32_0 : i32, i32
  }
  func.func @transform_4(%arg0: i32) -> (i32, i32) {
    %c0_i32 = arith.constant 0 : i32
    %c0_i32_0 = arith.constant 0 : i32
    %c0_i32_1 = arith.constant 0 : i32
    return %c0_i32, %c0_i32_0 : i32, i32
  }
  func.func @transform_5(%arg0: i32) -> (i32, i32) {
    %c0_i32 = arith.constant 0 : i32
    %c0_i32_0 = arith.constant 0 : i32
    %c0_i32_1 = arith.constant 0 : i32
    return %c0_i32, %c0_i32_0 : i32, i32
  }
  func.func @transform_6(%arg0: i32) -> (i32, i32) {
    %c0_i32 = arith.constant 0 : i32
    %c0_i32_0 = arith.constant 0 : i32
    %c0_i32_1 = arith.constant 0 : i32
    return %c0_i32, %c0_i32_0 : i32, i32
  }
  func.func @transform_7(%arg0: i32) -> (i32, i32) {
    %c0_i32 = arith.constant 0 : i32
    %c0_i32_0 = arith.constant 0 : i32
    return %arg0, %c0_i32 : i32, i32
  }
}

</mosaic_0001>

<sc_bundles>
// kernel: kernel.12.cloned.1.call-start
scs
__scs_entry_jumppad:
0x0: {  	(pc) =	sbr.rel $0x88, $3  }
0x1: {  	(tag) =	ssettag $0x0;
	lr =	simm.s32 $0x1  }
0x2: {  	[smem:$0x3F97] =	sst lr;
	_ =	strace $0xD0000000  }
0x3: {  	_ = 	snop  }
0x4: {  	_ = 	snop  }
0x5: {  	_ = 	snop  }
0x6: {  	_ = 	snop  }
0x7: {  	_ = 	snop  }
__scs_overlays_trampoline_lowered:
0x8: {  	[smem:$0x3FA6] =	sst s0  }
0x9: {  	[smem:$0x3FA7] =	sst s1  }
0xa: {  	[smem:$0x3FA8] =	sst s2  }
0xb: {  	[smem:$0x3FA9] =	sst s3  }
0xc: {  	[smem:$0x3FAA] =	sst s4  }
0xd: {  	[smem:$0x3FAB] =	sst s5  }
0xe: {  	[smem:$0x3FAC] =	sst s6  }
0xf: {  	[smem:$0x3FAD] =	sst s7  }
0x10: {  	[smem:$0x3FAE] =	sst s8  }
0x11: {  	[smem:$0x3FAF] =	sst s9;
	s0 =	simm.s32 @!p0 $0x0  }
0x12: {  	s1 =	sld [smem:$0x3F95];
	s0 =	simm.s32 @p0 $0x1  }
0x13: {  	[smem:$0x3FB0] =	sst s0;
	s0 =	simm.s32 @!p1 $0x0  }
0x14: {  	s2 =	sld [smem:$0x3F94];
	s0 =	simm.s32 @p1 $0x1  }
0x15: {  	[smem:$0x3FB1] =	sst s0;
	s0 =	simm.s32 @!p2 $0x0  }
0x16: {  	s3 =	sld [smem:$0x3FDB];
	s0 =	simm.s32 @p2 $0x1  }
0x17: {  	s4 =	simm.s32 $0x1BF5;
	[smem:$0x3FB3] =	sst s0  }
0x18: {  	s0 =	sld [smem:$0x3F96];
	_ =	swait.ge [sflag:s4], $0x0  }
0x19: {  	s7 =	sld [smem:$0x3F97]  }
0x1a: {  	s8 =	sadd.s32 $0xFFFFE003, lr  }
0x1b: {  	s9 =	sadd.s32 $0xFFFFFEF7, lr;
	s5 =	simm.s32 $0xFFFFFFFF;
	p2 =	slt.u32 s8, $0xFFFFF086  }
0x1c: {  	p1 =	slt.u32 s9, $0xF7A;
	s5 =	simm.s32 @!p2 $0x0  }
0x1d: {  	s5 =	simm.s32 @p1 $0x1;
	p0 =	seq.s32 s7, s2  }
0x1e: {  	s7 =	smul.u32 @!p0 $0xF7A, s2;
	p2 =	seq.s32 @!p0 s5, $0x0  }
0x1f: {  	s9 =	smul.u32 $0xF7A, s1;
	s8 =	simm.s32 @!p0 $0x1BF5;
	p2 =	por !p2, p0  }
0x20: {  	[sflag:s8] =	ssyncset.s32 @!p0 $0xFFFFF086;
	s6 =	sadd.s32 @!p0 s3, s7;
	s7 =	simm.s32 @!p0 $0x108  }
0x21: {  	s3 =	sadd.s32 s3, s9;
	s6 =	sadd.s32 @!p0 $0x88, s6;
	s7 =	simm.s32 @p2 $0x1082  }
0x22: {  	[simem:s7], [sflag:s8] =	dma.local @!p0 [hbm:s6], $0xF7A  }
0x23: {  	s9 =	sor.u32 $0xD0000000, s2;
	s6 =	simm.s32 $0x108;
	_ =	swait.ge @!p0 [sflag:s8], $0x0  }
0x24: {  	s3 =	sadd.s32 $0x88, s3;
	s6 =	simm.s32 @!p1 $0x1082;
	[sflag:s4] =	ssyncset.s32 $0xFFFFF086  }
0x25: {  	[simem:s6], [sflag:s4] =	dma.local [hbm:s3], $0xF7A  }
0x26: {  	[smem:$0x3F97] =	sst s1;
	(tag) =	ssettag s2;
	_ =	strace s9  }
0x27: {  	s1 =	sld [smem:$0x3FA7]  }
0x28: {  	s2 =	sld [smem:$0x3FA8]  }
0x29: {  	s4 =	sld [smem:$0x3FAA]  }
0x2a: {  	p0 =	seq.s32 s5, $0x0;
	s5 =	sld [smem:$0x3FAB]  }
0x2b: {  	s6 =	sld [smem:$0x3FAC]  }
0x2c: {  	s7 =	sld [smem:$0x3FAD]  }
0x2d: {  	s3 =	simm.s32 $0x108;
	s8 =	sld [smem:$0x3FAE]  }
0x2e: {  	s3 =	simm.s32 @!p0 $0x1082;
	s9 =	sld [smem:$0x3FAF]  }
0x2f: {  	lr =	sadd.s32 s0, s3;
	s0 =	sld [smem:$0x3FA6]  }
0x30: {  	s3 =	sld [smem:$0x3FA9]  }
0x31: {  	[smem:$0x3FB2] =	sst s10  }
0x32: {  	s10 =	sld [smem:$0x3FB0];
	_ =	sdelay $0x3  }
0x33: {  	p0 =	seq.s32 s10, $0x1;
	s10 =	sld [smem:$0x3FB2];
	_ =	sdelay $0x3  }
0x34: {  	[smem:$0x3FB2] =	sst s10  }
0x35: {  	s10 =	sld [smem:$0x3FB1];
	_ =	sdelay $0x3  }
0x36: {  	p1 =	seq.s32 s10, $0x1;
	s10 =	sld [smem:$0x3FB2];
	_ =	sdelay $0x3  }
0x37: {  	[smem:$0x3FB2] =	sst s10  }
0x38: {  	s10 =	sld [smem:$0x3FB3]  }
0x39: {  	_ = 	snop;
	(pc) =	sbr.ind lr, $3  }
0x3a: {  	_ = 	snop  }
0x3b: {  	_ = 	snop  }
0x3c: {  	p2 =	seq.s32 s10, $0x1;
	s10 =	sld [smem:$0x3FB2]  }
0x3d: {  	_ =	shalt  }
0x3e: {  	_ =	shalt  }
0x3f: {  	_ =	shalt  }
0x40: {  	_ =	shalt  }
0x41: {  	_ =	shalt  }
0x42: {  	_ =	shalt  }
0x43: {  	_ =	shalt  }
0x44: {  	_ =	shalt  }
0x45: {  	_ =	shalt  }
0x46: {  	_ =	shalt  }
0x47: {  	_ =	shalt  }
0x48: {  	_ =	shalt  }
0x49: {  	_ =	shalt  }
0x4a: {  	_ =	shalt  }
0x4b: {  	_ =	shalt  }
0x4c: {  	_ =	shalt  }
0x4d: {  	_ =	shalt  }
0x4e: {  	_ =	shalt  }
0x4f: {  	_ =	shalt  }
0x50: {  	_ =	shalt  }
0x51: {  	_ =	shalt  }
0x52: {  	_ =	shalt  }
0x53: {  	_ =	shalt  }
0x54: {  	_ =	shalt  }
0x55: {  	_ =	shalt  }
0x56: {  	_ =	shalt  }
0x57: {  	_ =	shalt  }
0x58: {  	_ =	shalt  }
0x59: {  	_ =	shalt  }
0x5a: {  	_ =	shalt  }
0x5b: {  	_ =	shalt  }
0x5c: {  	_ =	shalt  }
0x5d: {  	_ =	shalt  }
0x5e: {  	_ =	shalt  }
0x5f: {  	_ =	shalt  }
0x60: {  	_ =	shalt  }
0x61: {  	_ =	shalt  }
0x62: {  	_ =	shalt  }
0x63: {  	_ =	shalt  }
0x64: {  	_ =	shalt  }
0x65: {  	_ =	shalt  }
0x66: {  	_ =	shalt  }
0x67: {  	_ =	shalt  }
0x68: {  	_ =	shalt  }
0x69: {  	_ =	shalt  }
0x6a: {  	_ =	shalt  }
0x6b: {  	_ =	shalt  }
0x6c: {  	_ =	shalt  }
0x6d: {  	_ =	shalt  }
0x6e: {  	_ =	shalt  }
0x6f: {  	_ =	shalt  }
0x70: {  	_ =	shalt  }
0x71: {  	_ =	shalt  }
0x72: {  	_ =	shalt  }
0x73: {  	_ =	shalt  }
0x74: {  	_ =	shalt  }
0x75: {  	_ =	shalt  }
0x76: {  	_ =	shalt  }
0x77: {  	_ =	shalt  }
0x78: {  	_ =	shalt  }
0x79: {  	_ =	shalt  }
0x7a: {  	_ =	shalt  }
0x7b: {  	_ =	shalt  }
0x7c: {  	_ =	shalt  }
0x7d: {  	_ =	shalt  }
0x7e: {  	_ =	shalt  }
0x7f: {  	_ =	shalt  }
0x80: {  	_ =	shalt  }
0x81: {  	_ =	shalt  }
0x82: {  	_ =	shalt  }
0x83: {  	_ =	shalt  }
0x84: {  	_ =	shalt  }
0x85: {  	_ =	shalt  }
0x86: {  	_ =	shalt  }
0x87: {  	_ =	shalt  }
.Lfunc_end0:
.L_simem_size_0:
called_computation.1_lowered:
.L_overlay_start_0:
0x88: {  	s2 =	sld [smem:$0x3FD9]  }
0x89: {  	s3 =	sld [smem:$0x3FFE];
	_ =	sdelay $0x1  }
0x8a: {  	s1 =	srdreg.scid  }
0x8b: {  	s0 =	sand.u32 $0x1, s1  }
0x8c: {  	s17 =	sshll.u32 s0, $0xA;
	s2 =	sadd.s32 s3, s2  }
0x8d: {  	s2 =	sadd.s32 s2, s17  }
0x8e: {  	[smem:$0x3FBE] =	sst s2  }
0x8f: {  	_ = 	snop  }
0x90: {  	s18 =	sld [smem:$0x3FD0];
	(tm) =	ssettm $0x1  }
0x91: {  	s19 =	sld [smem:$0x3FFB];
	_ =	sdelay $0x3  }
0x92: {  	_ =	strace s19  }
0x93: {  	s2 =	sld [smem:$0x3FFC];
	_ =	sdelay $0x3  }
0x94: {  	_ =	strace s2  }
0x95: {  	s2 =	sld [smem:$0x3FFD];
	_ =	sdelay $0x3  }
0x96: {  	_ =	strace s2  }
0x97: {  	_ =	strace $0x8FFFFFFF  }
0x98: {  	s20 =	sld [smem:$0x3FDB];
	_ =	sdelay $0x1  }
0x99: {  	s4 =	simm.s32 $_scs_section_size  }
0x9a: {  	s5 =	simm.s32 $_size__tile_overlayer_lowered;
	s6 =	simm.s32 $_tile_overlayer_lowered  }
0x9b: {  	s7 =	simm.s32 $0x1BFF;
	s21 =	sshll.u32 s6, $0x1;
	s4 =	sadd.s32 s4, s20  }
0x9c: {  	s22 =	simm.s32 $0x0;
	s5 =	sshll.u32 s5, $0x1;
	s6 =	sadd.s32 s21, s4  }
0x9d: {  	[timem:s22], [sflag:s7] =	dma.local [hbm:s6], s5  }
0x9e: {  	_ =	swait.ge [sflag:s7], s5  }
0x9f: {  	s5 =	ssub.s32 $0x0, s5;
	[sflag:s7] =	ssyncset.done $0x0  }
0xa0: {  	[sflag:s7] =	ssyncadd.s32 s5;
	_ =	sdelay $0x1  }
0xa1: {  	s23 =	simm.s32 $0x1B8B  }
0xa2: {  	_ =	swait.ge [sflag:s23], $0x1  }
0xa3: {  	[sflag:s23] =	ssyncset.done $0x0  }
0xa4: {  	[sflag:s23] =	ssyncadd.s32 $0xFFFFFFFF  }
0xa5: {  	s5 =	sld [smem:$0x0]  }
0xa6: {  	s6 =	sand.u32 $0xFFFFFFFE, s1  }
0xa7: {  	p0 =	sne.s32 s1, s6  }
0xa8: {  	s6 =	sshll.u32 @p0 s6, $0xE  }
0xa9: {  	s6 =	sadd.s32 @p0 $0x11B8D, s6;
	s7 =	sshll.u32 @p0 s5, $0x11  }
0xaa: {  	s6 =	sor.u32 @p0 s7, s6  }
0xab: {  	[sflag:s6] =	ssyncadd.remote.s32 @p0 $0x1;
	_ =	sdelay $0x1  }
0xac: {  	s6 =	simm.s32 @p0 $0x1B8D  }
0xad: {  	_ =	swait.eq @p0 [sflag:s6], $0x1  }
0xae: {  	[sflag:s6] =	ssyncadd.s32 @p0 $0xFFFFFFFF  }
0xaf: {  	s7 =	sshll.u32 @!p0 s1, $0xE  }
0xb0: {  	s7 =	sor.u32 @!p0 $0x4000, s7;
	s6 =	simm.s32 @!p0 $0x1B8D  }
0xb1: {  	s5 =	sshll.u32 @!p0 s5, $0x11;
	s7 =	sadd.s32 @!p0 $0x11B8D, s7;
	_ =	swait.eq @!p0 [sflag:s6], $0x1  }
0xb2: {  	s5 =	sor.u32 @!p0 s5, s7;
	[sflag:s6] =	ssyncadd.s32 @!p0 $0xFFFFFFFF  }
0xb3: {  	s25 =	simm.s32 $0x1B8E;
	s24 =	sld [smem:$0x3FFE];
	[sflag:s5] =	ssyncadd.remote.s32 @!p0 $0x1  }
0xb4: {  	s26 =	simm.s32 $execute0_lowered;
	[smem:$0x3FD2] =	sst s25  }
0xb5: {  	s6 =	sshll.u32 s26, $0x1;
	_ =	strace $0x80000049;
	[dreg:$0x1] =	wrdreg $0xFFFFFFFF  }
0xb6: {  	s28 =	simm.s32 $_size_execute0_lowered;
	s4 =	sadd.s32 s4, s6;
	[dreg:$0x0] =	wrdreg $0x0  }
0xb7: {  	s6 =	sshll.u32 s28, $0x1;
	[dreg:$0x2] =	wrdreg s4  }
0xb8: {  	[dreg:$0x3] =	wrdreg s6  }
0xb9: {  	[dreg:$0x4] =	wrdreg $0xC0  }
0xba: {  	_ =	task [dreg:s22], $0x5FFFF  }
0xbb: {  	[dreg:$0x1] =	wrdreg $0xFFFFFFFF  }
0xbc: {  	[dreg:$0x0] =	wrdreg $0x60  }
0xbd: {  	[dreg:$0x2] =	wrdreg s18  }
0xbe: {  	[dreg:$0x3] =	wrdreg s24  }
0xbf: {  	[dreg:$0x4] =	wrdreg $0xA8000  }
0xc0: {  	[dreg:$0x5] =	wrdreg $0x9  }
0xc1: {  	_ =	task.clear_ibuf [dreg:s22], $0x6FFFF;
	_ =	strace $0x90000049  }
0xc2: {  	s29 =	simm.s32 $0x9;
	_ =	strace $0x8000004B  }
0xc3: {  	_ =	swait.ge [sflag:s29], $0x1  }
0xc4: {  	[sflag:s29] =	ssyncadd.s32 $0xFFFFFFFF  }
0xc5: {  	_ =	strace $0x9000004B  }
0xc6: {  	_ =	sfence  }
0xc7: {  	s30 =	sld [smem:$0x0];
	_ =	sdelay $0x2  }
0xc8: {  	s31 =	sshll.u32 s1, $0xD;
	s1 =	sshrl.u32 s1, $0x2  }
0xc9: {  	s4 =	sand.u32 $0x4000, s31;
	s1 =	sadd.s32 s1, s30  }
0xca: {  	s0 =	sor.u32 s4, s0;
	s1 =	sshll.u32 s1, $0x11  }
0xcb: {  	s0 =	sor.u32 s1, s0  }
0xcc: {  	s0 =	sadd.s32 $0x8F2B, s0  }
0xcd: {  	[sflag:s0] =	ssyncadd.remote.s32 $0x1  }
0xce: {  	_ =	sfence.sel $0xFFFF  }
0xcf: {  	[dreg:$0x0] =	wrdreg $0xFFFFFFFF;
	(pc) =	sbr.abs _section_cstart, $3  }
0xd0: {  	[dreg:$0x1] =	wrdreg $0xFFFFFFFF  }
0xd1: {  	_ =	task.clear_ibuf [dreg:s22], $0x2FFFF;
	_ =	strace $0x9FFFFFFF  }
0xd2: {  	(tm) =	ssettm $0x7FFFFFFF  }
0xd3: {  	_ =	shalt  }
tec
execute0_lowered:
.L_overlay_start_1:
0x0: {  	(tag) =	ssettag $0x1  }
0x1: {  	s1 =	rddreg [dreg:$0x0]  }
0x2: {  	s6 =	rddreg [dreg:$0x1]  }
0x3: {  	s3 =	rddreg [dreg:$0x2]  }
0x4: {  	s0 =	rddreg [dreg:$0x3];
	s4 =	simm.s32 $0x0  }
0x5: {  	s2 =	stileid.u32;
	s5 =	srdreg.scid;
	s13 =	simm.s32 $0x8000  }
0x6: {  	s14 =	simm.s32 $0x1;
	s15 =	simm.s32 $0x7E00;
	[smem:$0x7FF] =	sst s4  }
0x7: {  	s7 =	sshll.u32 s2, $0xB;
	s8 =	sand.u32 $0x1, s5;
	s12 =	smul.u32 $0x50000, s2  }
0x8: {  	s5 =	sadd.s32 $0x12A00, s6;
	s31 =	sshll.u32 s2, $0x6;
	s17 =	smul.u32 $0x2800, s2  }
0x9: {  	_ =	strace $0x8000004A;
	s9 =	smul.u32 $0x28000, s8;
	s10 =	ssub.s32 $0x2, s8  }
0xa: {  	s7 =	sadd.s32 s7, s6;
	s29 =	sshll.u32 s8, $0xF;
	s11 =	sshrl.u32 s10, $0x1  }
0xb: {  	s30 =	sshrl.u32 s12, $0x2;
	s7 =	sadd.s32 s29, s7;
	s9 =	sadd.s32 s9, s6  }
0xc: {  	s10 =	ssub.s32 s10, s11;
	s12 =	sadd.s32 s30, s3;
	s6 =	sor.u32 $0x1C02, s31  }
0xd: {  	s7 =	sadd.s32 $0x65200, s7;
	s11 =	simm.s32 $0x4000;
	s16 =	sadd.s32 $0x75200, s9  }
0xe: {  	s8 =	smax.u32 s10, $0x1;
	s9 =	sshrl.u32 s12, $0x3;
	s10 =	simm.s32 $0x2  }
0xf: {  	s12 =	simm.s32 $0x50;
	s16 =	sadd.s32 s17, s16;
	s17 =	simm.s32 $0x0  }
.LBB2_1:
0x10: {  	[spmem:s9], [sflag:s6] =	dma.local [hbm:s5], $0x2800  }
0x11: {  	_ =	swait.ge [sflag:s10], $0x2800  }
0x12: {  	[sflag:s10] =	ssyncset.done $0x0  }
0x13: {  	[sflag:s10] =	ssyncadd.s32 $0xFFFFD800  }
0x14: {  	[tilespmem:s4], [sflag:$0x2] =	stream.linear.gather [hbm4b:s7+s4], $0x3E80, $0x38;
	[tilespmem:$0x1E800] =	vst v63  }
0x15: {  	_ =	swait.ge [sflag:s10], $0x3E80  }
0x16: {  	[sflag:s10] =	ssyncset.done $0x0  }
0x17: {  	[sflag:s10] =	ssyncadd.s32 $0xFFFFC180  }
0x18: {  	[tilespmem:s11], [sflag:$0x2] =	stream.linear.gather [hbm4b:s7+s4], $0x3E80, $0x38;
	[tilespmem:$0x1E800] =	vst v63  }
0x19: {  	_ =	swait.ge [sflag:s10], $0x3E80  }
0x1a: {  	[sflag:s10] =	ssyncset.done $0x0  }
0x1b: {  	[sflag:s10] =	ssyncadd.s32 $0xFFFFC180  }
0x1c: {  	[bflag:$0x0] =	sbarrier.arrive $0xFFFF  }
0x1d: {  	[tilespmem:s13], [sflag:$0x1] =	stream.indirect.gather [hbm4b:s1+s12], $0x80, s4, s12, $0xb8;
	[tilespmem:$0x1E800] =	vst v63  }
0x1e: {  	_ =	swait.ge [sflag:s14], $0x2800  }
0x1f: {  	[sflag:s14] =	ssyncset.done $0x0  }
0x20: {  	s18 =	simm.s32 $0x4000;
	[sflag:s14] =	ssyncadd.s32 $0xFFFFD800  }
0x21: {  	[spmem:s3] =	stream.indirect.scatter.add.f32 [tilespmem:s13], [sflag:$0x2], $0x80, s18, s12, $0xb8;
	[tilespmem:$0x1E800] =	vst v63  }
0x22: {  	_ =	swait.ge [sflag:s10], $0x2800  }
0x23: {  	[sflag:s10] =	ssyncset.done $0x0  }
0x24: {  	s19 =	simm.s32 $0x80;
	s18 =	simm.s32 $0x200;
	[sflag:s10] =	ssyncadd.s32 $0xFFFFD800  }
.LBB2_2:
0x25: {  	[tilespmem:s13], [sflag:$0x1] =	stream.indirect.gather [hbm4b:s1+s12], $0x80, s19, s12, $0xb8;
	[tilespmem:$0x1E800] =	vst v63  }
0x26: {  	s19 =	smov.u32 s18  }
0x27: {  	p0 =	sne.s32 s18, $0xF600;
	s18 =	sadd.s32 $0x200, s18;
	_ =	swait.ge [sflag:s14], $0x2800  }
0x28: {  	s19 =	sshra.s32 s19, $0x2;
	[sflag:s14] =	ssyncset.done $0x0  }
.Ltmp0:
0x29: {  	s20 =	sadd.s32 $0x4000, s19;
	[sflag:s14] =	ssyncadd.s32 $0xFFFFD800;
	(pc) =	sbr.rel @p0 .LBB2_2-.Ltmp0, $4  }
0x2a: {  	[spmem:s3] =	stream.indirect.scatter.add.f32 [tilespmem:s13], [sflag:$0x2], $0x80, s20, s12, $0xb8;
	[tilespmem:$0x1E800] =	vst v63  }
0x2b: {  	_ =	swait.ge [sflag:s10], $0x2800  }
0x2c: {  	[sflag:s10] =	ssyncset.done $0x0  }
0x2d: {  	s19 =	sadd.s32 $0x80, s19;
	[sflag:s10] =	ssyncadd.s32 $0xFFFFD800  }
0x2e: {  	[tilespmem:s13], [sflag:$0x1] =	stream.indirect.gather [hbm4b:s1+s12], $0x80, s19, s12, $0xb8;
	[tilespmem:$0x1E800] =	vst v63  }
0x2f: {  	_ =	swait.ge [sflag:s14], $0x2800  }
0x30: {  	[sflag:s14] =	ssyncset.done $0x0  }
0x31: {  	[sflag:s14] =	ssyncadd.s32 $0xFFFFD800  }
0x32: {  	[spmem:s3] =	stream.indirect.scatter.add.f32 [tilespmem:s13], [sflag:$0x2], $0x80, s15, s12, $0xb8;
	[tilespmem:$0x1E800] =	vst v63  }
0x33: {  	_ =	swait.ge [sflag:s10], $0x2800  }
0x34: {  	s17 =	sadd.s32 $0x1, s17;
	[sflag:s10] =	ssyncset.done $0x0  }
0x35: {  	p0 =	sne.s32 s17, s8;
	[sflag:s10] =	ssyncadd.s32 $0xFFFFD800  }
.Ltmp1:
0x36: {  	[bflag:$0x0] =	sbarrier.arrive $0xFFFF;
	(pc) =	sbr.rel @p0 .LBB2_1-.Ltmp1, $4  }
0x37: {  	[hbm:s16], [sflag:s6] =	dma.local [spmem:s9], $0x2800  }
0x38: {  	_ =	swait.ge [sflag:s10], $0x2800  }
0x39: {  	[sflag:s10] =	ssyncset.done $0x0  }
0x3a: {  	[sflag:s10] =	ssyncadd.s32 $0xFFFFD800  }
0x3b: {  	_ =	sfence.sel $0x180000  }
0x3c: {  	[bflag:$0x0] =	sbarrier.arrive $0xFFFF  }
0x3d: {  	p0 =	sne.s32 s2, $0x0;
	_ =	strace $0x9000004A  }
0x3e: {  	s0 =	sadd.s32 @!p0 $0x100000, s0;
	[bflag:$0x2] =	sbarrier.arrive $0xFFFF  }
0x3f: {  	[sflag:s0] =	ssyncadd.tile.s32 @!p0 $0x1;
	_ =	shalt  }
.Lfunc_end2:
_tile_overlayer_lowered:
.L_overlay_start_2:
0x40: {  	(tag) =	ssettag $0x2  }
0x41: {  	s0 =	rddreg [dreg:$0x0];
	s2 =	stileid.u32  }
0x42: {  	s1 =	rddreg [dreg:$0x1];
	p0 =	sne.s32 s2, $0x0  }
0x43: {  	s3 =	rddreg [dreg:$0x2];
	[bflag:$0x3] =	sbarrier.arrive $0xFFFF;
	s2 =	simm.s32 @!p0 $0x1C02  }
0x44: {  	[timem:s3], [sflag:s2] =	dma.local @!p0 [hbm:s0], s1  }
0x45: {  	s0 =	simm.s32 @!p0 $0x2  }
0x46: {  	_ =	swait.ge @!p0 [sflag:s0], s1  }
0x47: {  	s1 =	ssub.s32 @!p0 $0x0, s1;
	[sflag:s0] =	ssyncset.done @!p0 $0x0  }
0x48: {  	[sflag:s0] =	ssyncadd.s32 @!p0 s1  }
0x49: {  	[bflag:$0x3] =	sbarrier.arrive $0xFFFF  }
0x4a: {  	_ =	shalt  }

// kernel: kernel.15.cloned.1.call-start
scs
__scs_entry_jumppad:
0x0: {  	(pc) =	sbr.rel $0x88, $3  }
0x1: {  	(tag) =	ssettag $0x0;
	lr =	simm.s32 $0x1  }
0x2: {  	[smem:$0x3F97] =	sst lr;
	_ =	strace $0xD0000000  }
0x3: {  	_ = 	snop  }
0x4: {  	_ = 	snop  }
0x5: {  	_ = 	snop  }
0x6: {  	_ = 	snop  }
0x7: {  	_ = 	snop  }
__scs_overlays_trampoline_lowered:
0x8: {  	[smem:$0x3FA6] =	sst s0  }
0x9: {  	[smem:$0x3FA7] =	sst s1  }
0xa: {  	[smem:$0x3FA8] =	sst s2  }
0xb: {  	[smem:$0x3FA9] =	sst s3  }
0xc: {  	[smem:$0x3FAA] =	sst s4  }
0xd: {  	[smem:$0x3FAB] =	sst s5  }
0xe: {  	[smem:$0x3FAC] =	sst s6  }
0xf: {  	[smem:$0x3FAD] =	sst s7  }
0x10: {  	[smem:$0x3FAE] =	sst s8  }
0x11: {  	[smem:$0x3FAF] =	sst s9;
	s0 =	simm.s32 @!p0 $0x0  }
0x12: {  	s1 =	sld [smem:$0x3F95];
	s0 =	simm.s32 @p0 $0x1  }
0x13: {  	[smem:$0x3FB0] =	sst s0;
	s0 =	simm.s32 @!p1 $0x0  }
0x14: {  	s2 =	sld [smem:$0x3F94];
	s0 =	simm.s32 @p1 $0x1  }
0x15: {  	[smem:$0x3FB1] =	sst s0;
	s0 =	simm.s32 @!p2 $0x0  }
0x16: {  	s3 =	sld [smem:$0x3FDB];
	s0 =	simm.s32 @p2 $0x1  }
0x17: {  	s4 =	simm.s32 $0x1BF5;
	[smem:$0x3FB3] =	sst s0  }
0x18: {  	s0 =	sld [smem:$0x3F96];
	_ =	swait.ge [sflag:s4], $0x0  }
0x19: {  	s7 =	sld [smem:$0x3F97]  }
0x1a: {  	s8 =	sadd.s32 $0xFFFFE003, lr  }
0x1b: {  	s9 =	sadd.s32 $0xFFFFFEF7, lr;
	s5 =	simm.s32 $0xFFFFFFFF;
	p2 =	slt.u32 s8, $0xFFFFF086  }
0x1c: {  	p1 =	slt.u32 s9, $0xF7A;
	s5 =	simm.s32 @!p2 $0x0  }
0x1d: {  	s5 =	simm.s32 @p1 $0x1;
	p0 =	seq.s32 s7, s2  }
0x1e: {  	s7 =	smul.u32 @!p0 $0xF7A, s2;
	p2 =	seq.s32 @!p0 s5, $0x0  }
0x1f: {  	s9 =	smul.u32 $0xF7A, s1;
	s8 =	simm.s32 @!p0 $0x1BF5;
	p2 =	por !p2, p0  }
0x20: {  	[sflag:s8] =	ssyncset.s32 @!p0 $0xFFFFF086;
	s6 =	sadd.s32 @!p0 s3, s7;
	s7 =	simm.s32 @!p0 $0x108  }
0x21: {  	s3 =	sadd.s32 s3, s9;
	s6 =	sadd.s32 @!p0 $0x88, s6;
	s7 =	simm.s32 @p2 $0x1082  }
0x22: {  	[simem:s7], [sflag:s8] =	dma.local @!p0 [hbm:s6], $0xF7A  }
0x23: {  	s9 =	sor.u32 $0xD0000000, s2;
	s6 =	simm.s32 $0x108;
	_ =	swait.ge @!p0 [sflag:s8], $0x0  }
0x24: {  	s3 =	sadd.s32 $0x88, s3;
	s6 =	simm.s32 @!p1 $0x1082;
	[sflag:s4] =	ssyncset.s32 $0xFFFFF086  }
0x25: {  	[simem:s6], [sflag:s4] =	dma.local [hbm:s3], $0xF7A  }
0x26: {  	[smem:$0x3F97] =	sst s1;
	(tag) =	ssettag s2;
	_ =	strace s9  }
0x27: {  	s1 =	sld [smem:$0x3FA7]  }
0x28: {  	s2 =	sld [smem:$0x3FA8]  }
0x29: {  	s4 =	sld [smem:$0x3FAA]  }
0x2a: {  	p0 =	seq.s32 s5, $0x0;
	s5 =	sld [smem:$0x3FAB]  }
0x2b: {  	s6 =	sld [smem:$0x3FAC]  }
0x2c: {  	s7 =	sld [smem:$0x3FAD]  }
0x2d: {  	s3 =	simm.s32 $0x108;
	s8 =	sld [smem:$0x3FAE]  }
0x2e: {  	s3 =	simm.s32 @!p0 $0x1082;
	s9 =	sld [smem:$0x3FAF]  }
0x2f: {  	lr =	sadd.s32 s0, s3;
	s0 =	sld [smem:$0x3FA6]  }
0x30: {  	s3 =	sld [smem:$0x3FA9]  }
0x31: {  	[smem:$0x3FB2] =	sst s10  }
0x32: {  	s10 =	sld [smem:$0x3FB0];
	_ =	sdelay $0x3  }
0x33: {  	p0 =	seq.s32 s10, $0x1;
	s10 =	sld [smem:$0x3FB2];
	_ =	sdelay $0x3  }
0x34: {  	[smem:$0x3FB2] =	sst s10  }
0x35: {  	s10 =	sld [smem:$0x3FB1];
	_ =	sdelay $0x3  }
0x36: {  	p1 =	seq.s32 s10, $0x1;
	s10 =	sld [smem:$0x3FB2];
	_ =	sdelay $0x3  }
0x37: {  	[smem:$0x3FB2] =	sst s10  }
0x38: {  	s10 =	sld [smem:$0x3FB3]  }
0x39: {  	_ = 	snop;
	(pc) =	sbr.ind lr, $3  }
0x3a: {  	_ = 	snop  }
0x3b: {  	_ = 	snop  }
0x3c: {  	p2 =	seq.s32 s10, $0x1;
	s10 =	sld [smem:$0x3FB2]  }
0x3d: {  	_ =	shalt  }
0x3e: {  	_ =	shalt  }
0x3f: {  	_ =	shalt  }
0x40: {  	_ =	shalt  }
0x41: {  	_ =	shalt  }
0x42: {  	_ =	shalt  }
0x43: {  	_ =	shalt  }
0x44: {  	_ =	shalt  }
0x45: {  	_ =	shalt  }
0x46: {  	_ =	shalt  }
0x47: {  	_ =	shalt  }
0x48: {  	_ =	shalt  }
0x49: {  	_ =	shalt  }
0x4a: {  	_ =	shalt  }
0x4b: {  	_ =	shalt  }
0x4c: {  	_ =	shalt  }
0x4d: {  	_ =	shalt  }
0x4e: {  	_ =	shalt  }
0x4f: {  	_ =	shalt  }
0x50: {  	_ =	shalt  }
0x51: {  	_ =	shalt  }
0x52: {  	_ =	shalt  }
0x53: {  	_ =	shalt  }
0x54: {  	_ =	shalt  }
0x55: {  	_ =	shalt  }
0x56: {  	_ =	shalt  }
0x57: {  	_ =	shalt  }
0x58: {  	_ =	shalt  }
0x59: {  	_ =	shalt  }
0x5a: {  	_ =	shalt  }
0x5b: {  	_ =	shalt  }
0x5c: {  	_ =	shalt  }
0x5d: {  	_ =	shalt  }
0x5e: {  	_ =	shalt  }
0x5f: {  	_ =	shalt  }
0x60: {  	_ =	shalt  }
0x61: {  	_ =	shalt  }
0x62: {  	_ =	shalt  }
0x63: {  	_ =	shalt  }
0x64: {  	_ =	shalt  }
0x65: {  	_ =	shalt  }
0x66: {  	_ =	shalt  }
0x67: {  	_ =	shalt  }
0x68: {  	_ =	shalt  }
0x69: {  	_ =	shalt  }
0x6a: {  	_ =	shalt  }
0x6b: {  	_ =	shalt  }
0x6c: {  	_ =	shalt  }
0x6d: {  	_ =	shalt  }
0x6e: {  	_ =	shalt  }
0x6f: {  	_ =	shalt  }
0x70: {  	_ =	shalt  }
0x71: {  	_ =	shalt  }
0x72: {  	_ =	shalt  }
0x73: {  	_ =	shalt  }
0x74: {  	_ =	shalt  }
0x75: {  	_ =	shalt  }
0x76: {  	_ =	shalt  }
0x77: {  	_ =	shalt  }
0x78: {  	_ =	shalt  }
0x79: {  	_ =	shalt  }
0x7a: {  	_ =	shalt  }
0x7b: {  	_ =	shalt  }
0x7c: {  	_ =	shalt  }
0x7d: {  	_ =	shalt  }
0x7e: {  	_ =	shalt  }
0x7f: {  	_ =	shalt  }
0x80: {  	_ =	shalt  }
0x81: {  	_ =	shalt  }
0x82: {  	_ =	shalt  }
0x83: {  	_ =	shalt  }
0x84: {  	_ =	shalt  }
0x85: {  	_ =	shalt  }
0x86: {  	_ =	shalt  }
0x87: {  	_ =	shalt  }
.Lfunc_end0:
.L_simem_size_0:
called_computation.2_lowered:
.L_overlay_start_0:
0x88: {  	s2 =	sld [smem:$0x3FD9]  }
0x89: {  	s3 =	sld [smem:$0x3FFE];
	_ =	sdelay $0x1  }
0x8a: {  	s1 =	srdreg.scid  }
0x8b: {  	s0 =	sand.u32 $0x1, s1  }
0x8c: {  	s17 =	sshll.u32 s0, $0xA;
	s2 =	sadd.s32 s3, s2  }
0x8d: {  	s2 =	sadd.s32 s2, s17  }
0x8e: {  	[smem:$0x3FBE] =	sst s2  }
0x8f: {  	_ = 	snop  }
0x90: {  	(tm) =	ssettm $0x1  }
0x91: {  	s18 =	sld [smem:$0x3FFB];
	_ =	sdelay $0x3  }
0x92: {  	_ =	strace s18  }
0x93: {  	s2 =	sld [smem:$0x3FFC];
	_ =	sdelay $0x3  }
0x94: {  	_ =	strace s2  }
0x95: {  	s2 =	sld [smem:$0x3FFD];
	_ =	sdelay $0x3  }
0x96: {  	_ =	strace s2  }
0x97: {  	_ =	strace $0x8FFFFFFF  }
0x98: {  	s19 =	sld [smem:$0x3FDB];
	_ =	sdelay $0x1  }
0x99: {  	s20 =	simm.s32 $_scs_section_size  }
0x9a: {  	s4 =	simm.s32 $_size__tile_overlayer_lowered;
	s5 =	simm.s32 $_tile_overlayer_lowered  }
0x9b: {  	s6 =	simm.s32 $0x1BFF;
	s21 =	sshll.u32 s5, $0x1;
	s3 =	sadd.s32 s20, s19  }
0x9c: {  	s22 =	simm.s32 $0x0;
	s4 =	sshll.u32 s4, $0x1;
	s5 =	sadd.s32 s21, s3  }
0x9d: {  	[timem:s22], [sflag:s6] =	dma.local [hbm:s5], s4  }
0x9e: {  	_ =	swait.ge [sflag:s6], s4  }
0x9f: {  	s4 =	ssub.s32 $0x0, s4;
	[sflag:s6] =	ssyncset.done $0x0  }
0xa0: {  	[sflag:s6] =	ssyncadd.s32 s4;
	_ =	sdelay $0x1  }
0xa1: {  	s23 =	simm.s32 $0x1B8B  }
0xa2: {  	_ =	swait.ge [sflag:s23], $0x1  }
0xa3: {  	[sflag:s23] =	ssyncset.done $0x0  }
0xa4: {  	[sflag:s23] =	ssyncadd.s32 $0xFFFFFFFF  }
0xa5: {  	s4 =	sld [smem:$0x0]  }
0xa6: {  	s5 =	sand.u32 $0xFFFFFFFE, s1  }
0xa7: {  	p0 =	sne.s32 s1, s5  }
0xa8: {  	s5 =	sshll.u32 @p0 s5, $0xE  }
0xa9: {  	s5 =	sadd.s32 @p0 $0x11B8D, s5;
	s6 =	sshll.u32 @p0 s4, $0x11  }
0xaa: {  	s5 =	sor.u32 @p0 s6, s5  }
0xab: {  	[sflag:s5] =	ssyncadd.remote.s32 @p0 $0x1;
	_ =	sdelay $0x1  }
0xac: {  	s5 =	simm.s32 @p0 $0x1B8D  }
0xad: {  	_ =	swait.eq @p0 [sflag:s5], $0x1  }
0xae: {  	[sflag:s5] =	ssyncadd.s32 @p0 $0xFFFFFFFF  }
0xaf: {  	s6 =	sshll.u32 @!p0 s1, $0xE  }
0xb0: {  	s6 =	sor.u32 @!p0 $0x4000, s6;
	s5 =	simm.s32 @!p0 $0x1B8D  }
0xb1: {  	s4 =	sshll.u32 @!p0 s4, $0x11;
	s6 =	sadd.s32 @!p0 $0x11B8D, s6;
	_ =	swait.eq @!p0 [sflag:s5], $0x1  }
0xb2: {  	s4 =	sor.u32 @!p0 s4, s6;
	[sflag:s5] =	ssyncadd.s32 @!p0 $0xFFFFFFFF  }
0xb3: {  	s25 =	simm.s32 $0x1B8E;
	s24 =	sld [smem:$0x3FFE];
	[sflag:s4] =	ssyncadd.remote.s32 @!p0 $0x1  }
0xb4: {  	s26 =	simm.s32 $execute0_lowered;
	[smem:$0x3FD2] =	sst s25  }
0xb5: {  	s5 =	sshll.u32 s26, $0x1;
	_ =	strace $0x8000004C;
	[dreg:$0x1] =	wrdreg $0xFFFFFFFF  }
0xb6: {  	s28 =	simm.s32 $_size_execute0_lowered;
	s3 =	sadd.s32 s3, s5;
	[dreg:$0x0] =	wrdreg $0x0  }
0xb7: {  	s5 =	sshll.u32 s28, $0x1;
	[dreg:$0x2] =	wrdreg s3  }
0xb8: {  	[dreg:$0x3] =	wrdreg s5  }
0xb9: {  	[dreg:$0x4] =	wrdreg $0xC0  }
0xba: {  	_ =	task [dreg:s22], $0x5FFFF  }
0xbb: {  	[dreg:$0x1] =	wrdreg $0xFFFFFFFF  }
0xbc: {  	[dreg:$0x0] =	wrdreg $0x60  }
0xbd: {  	[dreg:$0x2] =	wrdreg s24  }
0xbe: {  	[dreg:$0x3] =	wrdreg $0xA8000  }
0xbf: {  	[dreg:$0x4] =	wrdreg $0xA  }
0xc0: {  	_ =	task.clear_ibuf [dreg:s22], $0x5FFFF;
	_ =	strace $0x9000004C  }
0xc1: {  	s29 =	simm.s32 $0xA;
	_ =	strace $0x8000004E  }
0xc2: {  	_ =	swait.ge [sflag:s29], $0x1  }
0xc3: {  	[sflag:s29] =	ssyncadd.s32 $0xFFFFFFFF  }
0xc4: {  	_ =	strace $0x9000004E  }
0xc5: {  	_ =	sfence  }
0xc6: {  	s30 =	sld [smem:$0x0];
	_ =	sdelay $0x2  }
0xc7: {  	s31 =	sshll.u32 s1, $0xD;
	s1 =	sshrl.u32 s1, $0x2  }
0xc8: {  	s4 =	sand.u32 $0x4000, s31;
	s1 =	sadd.s32 s1, s30  }
0xc9: {  	s0 =	sor.u32 s4, s0;
	s1 =	sshll.u32 s1, $0x11  }
0xca: {  	s0 =	sor.u32 s1, s0  }
0xcb: {  	s0 =	sadd.s32 $0x8F2B, s0  }
0xcc: {  	[sflag:s0] =	ssyncadd.remote.s32 $0x1  }
0xcd: {  	_ =	sfence.sel $0xFFFF  }
0xce: {  	[dreg:$0x0] =	wrdreg $0xFFFFFFFF;
	(pc) =	sbr.abs _section_cstart, $3  }
0xcf: {  	[dreg:$0x1] =	wrdreg $0xFFFFFFFF  }
0xd0: {  	_ =	task.clear_ibuf [dreg:s22], $0x2FFFF;
	_ =	strace $0x9FFFFFFF  }
0xd1: {  	(tm) =	ssettm $0x7FFFFFFF  }
tec
execute0_lowered:
.L_overlay_start_1:
0x0: {  	(tag) =	ssettag $0x1  }
0x1: {  	s6 =	rddreg [dreg:$0x0]  }
0x2: {  	s1 =	rddreg [dreg:$0x1]  }
0x3: {  	s0 =	rddreg [dreg:$0x2]  }
0x4: {  	s3 =	simm.s32 $0x0;
	s4 =	srdreg.scid;
	s2 =	stileid.u32  }
0x5: {  	s13 =	simm.s32 $0x50;
	s14 =	simm.s32 $0x8000;
	s15 =	simm.s32 $0x1  }
0x6: {  	s16 =	simm.s32 $0x7E00;
	[smem:$0x7FF] =	sst s3;
	s7 =	sand.u32 $0x1, s4  }
0x7: {  	s8 =	sshll.u32 s2, $0xB;
	s4 =	sadd.s32 $0xC5200, s6;
	s29 =	smul.u32 $0x50000, s2  }
0x8: {  	s31 =	sshll.u32 s2, $0x6;
	s18 =	smul.u32 $0x2800, s2;
	_ =	strace $0x8000004D  }
0x9: {  	s5 =	sshll.u32 s7, $0xF;
	s9 =	smul.u32 $0x28000, s7;
	s7 =	ssub.s32 $0x2, s7  }
0xa: {  	s5 =	sor.u32 s8, s5;
	s30 =	sshrl.u32 s7, $0x1;
	s8 =	sshrl.u32 s29, $0x2  }
0xb: {  	s10 =	sadd.s32 s5, s6;
	s5 =	sadd.s32 $0x12A00, s6;
	s9 =	sadd.s32 s9, s6  }
0xc: {  	s11 =	ssub.s32 s7, s30;
	s12 =	sadd.s32 s8, s1;
	s6 =	sor.u32 $0x1C02, s31  }
0xd: {  	s7 =	sadd.s32 $0x2A00, s10;
	s8 =	sadd.s32 $0x65200, s10;
	s17 =	sadd.s32 $0xEC400, s9  }
0xe: {  	s9 =	smax.u32 s11, $0x1;
	s10 =	sshrl.u32 s12, $0x3;
	s11 =	simm.s32 $0x2  }
0xf: {  	s12 =	simm.s32 $0x4000;
	s17 =	sadd.s32 s18, s17;
	s18 =	simm.s32 $0x0  }
.LBB2_1:
0x10: {  	[spmem:s10], [sflag:s6] =	dma.local [hbm:s5], $0x2800  }
0x11: {  	_ =	swait.ge [sflag:s11], $0x2800  }
0x12: {  	[sflag:s11] =	ssyncset.done $0x0  }
0x13: {  	[sflag:s11] =	ssyncadd.s32 $0xFFFFD800  }
0x14: {  	[tilespmem:s3], [sflag:$0x2] =	stream.linear.gather [hbm4b:s7+s3], $0x3E80, $0x38;
	[tilespmem:$0x1E800] =	vst v63  }
0x15: {  	_ =	swait.ge [sflag:s11], $0x3E80  }
0x16: {  	[sflag:s11] =	ssyncset.done $0x0  }
0x17: {  	[sflag:s11] =	ssyncadd.s32 $0xFFFFC180  }
0x18: {  	[tilespmem:s12], [sflag:$0x2] =	stream.linear.gather [hbm4b:s8+s3], $0x3E80, $0x38;
	[tilespmem:$0x1E800] =	vst v63  }
0x19: {  	_ =	swait.ge [sflag:s11], $0x3E80  }
0x1a: {  	[sflag:s11] =	ssyncset.done $0x0  }
0x1b: {  	[sflag:s11] =	ssyncadd.s32 $0xFFFFC180  }
0x1c: {  	[bflag:$0x0] =	sbarrier.arrive $0xFFFF  }
0x1d: {  	[tilespmem:s14], [sflag:$0x1] =	stream.indirect.gather [hbm4b:s4+s13], $0x80, s3, s13, $0xb8;
	[tilespmem:$0x1E800] =	vst v63  }
0x1e: {  	_ =	swait.ge [sflag:s15], $0x2800  }
0x1f: {  	[sflag:s15] =	ssyncset.done $0x0  }
0x20: {  	s19 =	simm.s32 $0x4000;
	[sflag:s15] =	ssyncadd.s32 $0xFFFFD800  }
0x21: {  	[spmem:s1] =	stream.indirect.scatter.add.f32 [tilespmem:s14], [sflag:$0x2], $0x80, s19, s13, $0xb8;
	[tilespmem:$0x1E800] =	vst v63  }
0x22: {  	_ =	swait.ge [sflag:s11], $0x2800  }
0x23: {  	[sflag:s11] =	ssyncset.done $0x0  }
0x24: {  	s20 =	simm.s32 $0x80;
	s19 =	simm.s32 $0x200;
	[sflag:s11] =	ssyncadd.s32 $0xFFFFD800  }
.LBB2_2:
0x25: {  	[tilespmem:s14], [sflag:$0x1] =	stream.indirect.gather [hbm4b:s4+s13], $0x80, s20, s13, $0xb8;
	[tilespmem:$0x1E800] =	vst v63  }
0x26: {  	s20 =	smov.u32 s19  }
0x27: {  	p0 =	sne.s32 s19, $0xF600;
	s19 =	sadd.s32 $0x200, s19;
	_ =	swait.ge [sflag:s15], $0x2800  }
0x28: {  	s20 =	sshra.s32 s20, $0x2;
	[sflag:s15] =	ssyncset.done $0x0  }
.Ltmp0:
0x29: {  	s21 =	sadd.s32 $0x4000, s20;
	[sflag:s15] =	ssyncadd.s32 $0xFFFFD800;
	(pc) =	sbr.rel @p0 .LBB2_2-.Ltmp0, $4  }
0x2a: {  	[spmem:s1] =	stream.indirect.scatter.add.f32 [tilespmem:s14], [sflag:$0x2], $0x80, s21, s13, $0xb8;
	[tilespmem:$0x1E800] =	vst v63  }
0x2b: {  	_ =	swait.ge [sflag:s11], $0x2800  }
0x2c: {  	[sflag:s11] =	ssyncset.done $0x0  }
0x2d: {  	s20 =	sadd.s32 $0x80, s20;
	[sflag:s11] =	ssyncadd.s32 $0xFFFFD800  }
0x2e: {  	[tilespmem:s14], [sflag:$0x1] =	stream.indirect.gather [hbm4b:s4+s13], $0x80, s20, s13, $0xb8;
	[tilespmem:$0x1E800] =	vst v63  }
0x2f: {  	_ =	swait.ge [sflag:s15], $0x2800  }
0x30: {  	[sflag:s15] =	ssyncset.done $0x0  }
0x31: {  	[sflag:s15] =	ssyncadd.s32 $0xFFFFD800  }
0x32: {  	[spmem:s1] =	stream.indirect.scatter.add.f32 [tilespmem:s14], [sflag:$0x2], $0x80, s16, s13, $0xb8;
	[tilespmem:$0x1E800] =	vst v63  }
0x33: {  	_ =	swait.ge [sflag:s11], $0x2800  }
0x34: {  	s18 =	sadd.s32 $0x1, s18;
	[sflag:s11] =	ssyncset.done $0x0  }
0x35: {  	p0 =	sne.s32 s18, s9;
	[sflag:s11] =	ssyncadd.s32 $0xFFFFD800  }
.Ltmp1:
0x36: {  	[bflag:$0x0] =	sbarrier.arrive $0xFFFF;
	(pc) =	sbr.rel @p0 .LBB2_1-.Ltmp1, $4  }
0x37: {  	[hbm:s17], [sflag:s6] =	dma.local [spmem:s10], $0x2800  }
0x38: {  	_ =	swait.ge [sflag:s11], $0x2800  }
0x39: {  	[sflag:s11] =	ssyncset.done $0x0  }
0x3a: {  	[sflag:s11] =	ssyncadd.s32 $0xFFFFD800  }
0x3b: {  	_ =	sfence.sel $0x180000  }
0x3c: {  	[bflag:$0x0] =	sbarrier.arrive $0xFFFF  }
0x3d: {  	p0 =	sne.s32 s2, $0x0;
	_ =	strace $0x9000004D  }
0x3e: {  	s0 =	sadd.s32 @!p0 $0x100000, s0;
	[bflag:$0x2] =	sbarrier.arrive $0xFFFF  }
0x3f: {  	[sflag:s0] =	ssyncadd.tile.s32 @!p0 $0x1;
	_ =	shalt  }
.Lfunc_end2:
_tile_overlayer_lowered:
.L_overlay_start_2:
0x40: {  	(tag) =	ssettag $0x2  }
0x41: {  	s0 =	rddreg [dreg:$0x0];
	s2 =	stileid.u32  }
0x42: {  	s1 =	rddreg [dreg:$0x1];
	p0 =	sne.s32 s2, $0x0  }
0x43: {  	s3 =	rddreg [dreg:$0x2];
	[bflag:$0x3] =	sbarrier.arrive $0xFFFF;
	s2 =	simm.s32 @!p0 $0x1C02  }
0x44: {  	[timem:s3], [sflag:s2] =	dma.local @!p0 [hbm:s0], s1  }
0x45: {  	s0 =	simm.s32 @!p0 $0x2  }
0x46: {  	_ =	swait.ge @!p0 [sflag:s0], s1  }
0x47: {  	s1 =	ssub.s32 @!p0 $0x0, s1;
	[sflag:s0] =	ssyncset.done @!p0 $0x0  }
0x48: {  	[sflag:s0] =	ssyncadd.s32 @!p0 s1  }
0x49: {  	[bflag:$0x3] =	sbarrier.arrive $0xFFFF  }
0x4a: {  	_ =	shalt  }

// kernel: kernel.18.cloned.1.call-start
scs
__scs_entry_jumppad:
0x0: {  	(pc) =	sbr.rel $0x88, $3  }
0x1: {  	(tag) =	ssettag $0x0;
	lr =	simm.s32 $0x1  }
0x2: {  	[smem:$0x3F97] =	sst lr;
	_ =	strace $0xD0000000  }
0x3: {  	_ = 	snop  }
0x4: {  	_ = 	snop  }
0x5: {  	_ = 	snop  }
0x6: {  	_ = 	snop  }
0x7: {  	_ = 	snop  }
__scs_overlays_trampoline_lowered:
0x8: {  	[smem:$0x3FA6] =	sst s0  }
0x9: {  	[smem:$0x3FA7] =	sst s1  }
0xa: {  	[smem:$0x3FA8] =	sst s2  }
0xb: {  	[smem:$0x3FA9] =	sst s3  }
0xc: {  	[smem:$0x3FAA] =	sst s4  }
0xd: {  	[smem:$0x3FAB] =	sst s5  }
0xe: {  	[smem:$0x3FAC] =	sst s6  }
0xf: {  	[smem:$0x3FAD] =	sst s7  }
0x10: {  	[smem:$0x3FAE] =	sst s8  }
0x11: {  	[smem:$0x3FAF] =	sst s9;
	s0 =	simm.s32 @!p0 $0x0  }
0x12: {  	s1 =	sld [smem:$0x3F95];
	s0 =	simm.s32 @p0 $0x1  }
0x13: {  	[smem:$0x3FB0] =	sst s0;
	s0 =	simm.s32 @!p1 $0x0  }
0x14: {  	s2 =	sld [smem:$0x3F94];
	s0 =	simm.s32 @p1 $0x1  }
0x15: {  	[smem:$0x3FB1] =	sst s0;
	s0 =	simm.s32 @!p2 $0x0  }
0x16: {  	s3 =	sld [smem:$0x3FDB];
	s0 =	simm.s32 @p2 $0x1  }
0x17: {  	s4 =	simm.s32 $0x1BF5;
	[smem:$0x3FB3] =	sst s0  }
0x18: {  	s0 =	sld [smem:$0x3F96];
	_ =	swait.ge [sflag:s4], $0x0  }
0x19: {  	s7 =	sld [smem:$0x3F97]  }
0x1a: {  	s8 =	sadd.s32 $0xFFFFE003, lr  }
0x1b: {  	s9 =	sadd.s32 $0xFFFFFEF7, lr;
	s5 =	simm.s32 $0xFFFFFFFF;
	p2 =	slt.u32 s8, $0xFFFFF086  }
0x1c: {  	p1 =	slt.u32 s9, $0xF7A;
	s5 =	simm.s32 @!p2 $0x0  }
0x1d: {  	s5 =	simm.s32 @p1 $0x1;
	p0 =	seq.s32 s7, s2  }
0x1e: {  	s7 =	smul.u32 @!p0 $0xF7A, s2;
	p2 =	seq.s32 @!p0 s5, $0x0  }
0x1f: {  	s9 =	smul.u32 $0xF7A, s1;
	s8 =	simm.s32 @!p0 $0x1BF5;
	p2 =	por !p2, p0  }
0x20: {  	[sflag:s8] =	ssyncset.s32 @!p0 $0xFFFFF086;
	s6 =	sadd.s32 @!p0 s3, s7;
	s7 =	simm.s32 @!p0 $0x108  }
0x21: {  	s3 =	sadd.s32 s3, s9;
	s6 =	sadd.s32 @!p0 $0x88, s6;
	s7 =	simm.s32 @p2 $0x1082  }
0x22: {  	[simem:s7], [sflag:s8] =	dma.local @!p0 [hbm:s6], $0xF7A  }
0x23: {  	s9 =	sor.u32 $0xD0000000, s2;
	s6 =	simm.s32 $0x108;
	_ =	swait.ge @!p0 [sflag:s8], $0x0  }
0x24: {  	s3 =	sadd.s32 $0x88, s3;
	s6 =	simm.s32 @!p1 $0x1082;
	[sflag:s4] =	ssyncset.s32 $0xFFFFF086  }
0x25: {  	[simem:s6], [sflag:s4] =	dma.local [hbm:s3], $0xF7A  }
0x26: {  	[smem:$0x3F97] =	sst s1;
	(tag) =	ssettag s2;
	_ =	strace s9  }
0x27: {  	s1 =	sld [smem:$0x3FA7]  }
0x28: {  	s2 =	sld [smem:$0x3FA8]  }
0x29: {  	s4 =	sld [smem:$0x3FAA]  }
0x2a: {  	p0 =	seq.s32 s5, $0x0;
	s5 =	sld [smem:$0x3FAB]  }
0x2b: {  	s6 =	sld [smem:$0x3FAC]  }
0x2c: {  	s7 =	sld [smem:$0x3FAD]  }
0x2d: {  	s3 =	simm.s32 $0x108;
	s8 =	sld [smem:$0x3FAE]  }
0x2e: {  	s3 =	simm.s32 @!p0 $0x1082;
	s9 =	sld [smem:$0x3FAF]  }
0x2f: {  	lr =	sadd.s32 s0, s3;
	s0 =	sld [smem:$0x3FA6]  }
0x30: {  	s3 =	sld [smem:$0x3FA9]  }
0x31: {  	[smem:$0x3FB2] =	sst s10  }
0x32: {  	s10 =	sld [smem:$0x3FB0];
	_ =	sdelay $0x3  }
0x33: {  	p0 =	seq.s32 s10, $0x1;
	s10 =	sld [smem:$0x3FB2];
	_ =	sdelay $0x3  }
0x34: {  	[smem:$0x3FB2] =	sst s10  }
0x35: {  	s10 =	sld [smem:$0x3FB1];
	_ =	sdelay $0x3  }
0x36: {  	p1 =	seq.s32 s10, $0x1;
	s10 =	sld [smem:$0x3FB2];
	_ =	sdelay $0x3  }
0x37: {  	[smem:$0x3FB2] =	sst s10  }
0x38: {  	s10 =	sld [smem:$0x3FB3]  }
0x39: {  	_ = 	snop;
	(pc) =	sbr.ind lr, $3  }
0x3a: {  	_ = 	snop  }
0x3b: {  	_ = 	snop  }
0x3c: {  	p2 =	seq.s32 s10, $0x1;
	s10 =	sld [smem:$0x3FB2]  }
0x3d: {  	_ =	shalt  }
0x3e: {  	_ =	shalt  }
0x3f: {  	_ =	shalt  }
0x40: {  	_ =	shalt  }
0x41: {  	_ =	shalt  }
0x42: {  	_ =	shalt  }
0x43: {  	_ =	shalt  }
0x44: {  	_ =	shalt  }
0x45: {  	_ =	shalt  }
0x46: {  	_ =	shalt  }
0x47: {  	_ =	shalt  }
0x48: {  	_ =	shalt  }
0x49: {  	_ =	shalt  }
0x4a: {  	_ =	shalt  }
0x4b: {  	_ =	shalt  }
0x4c: {  	_ =	shalt  }
0x4d: {  	_ =	shalt  }
0x4e: {  	_ =	shalt  }
0x4f: {  	_ =	shalt  }
0x50: {  	_ =	shalt  }
0x51: {  	_ =	shalt  }
0x52: {  	_ =	shalt  }
0x53: {  	_ =	shalt  }
0x54: {  	_ =	shalt  }
0x55: {  	_ =	shalt  }
0x56: {  	_ =	shalt  }
0x57: {  	_ =	shalt  }
0x58: {  	_ =	shalt  }
0x59: {  	_ =	shalt  }
0x5a: {  	_ =	shalt  }
0x5b: {  	_ =	shalt  }
0x5c: {  	_ =	shalt  }
0x5d: {  	_ =	shalt  }
0x5e: {  	_ =	shalt  }
0x5f: {  	_ =	shalt  }
0x60: {  	_ =	shalt  }
0x61: {  	_ =	shalt  }
0x62: {  	_ =	shalt  }
0x63: {  	_ =	shalt  }
0x64: {  	_ =	shalt  }
0x65: {  	_ =	shalt  }
0x66: {  	_ =	shalt  }
0x67: {  	_ =	shalt  }
0x68: {  	_ =	shalt  }
0x69: {  	_ =	shalt  }
0x6a: {  	_ =	shalt  }
0x6b: {  	_ =	shalt  }
0x6c: {  	_ =	shalt  }
0x6d: {  	_ =	shalt  }
0x6e: {  	_ =	shalt  }
0x6f: {  	_ =	shalt  }
0x70: {  	_ =	shalt  }
0x71: {  	_ =	shalt  }
0x72: {  	_ =	shalt  }
0x73: {  	_ =	shalt  }
0x74: {  	_ =	shalt  }
0x75: {  	_ =	shalt  }
0x76: {  	_ =	shalt  }
0x77: {  	_ =	shalt  }
0x78: {  	_ =	shalt  }
0x79: {  	_ =	shalt  }
0x7a: {  	_ =	shalt  }
0x7b: {  	_ =	shalt  }
0x7c: {  	_ =	shalt  }
0x7d: {  	_ =	shalt  }
0x7e: {  	_ =	shalt  }
0x7f: {  	_ =	shalt  }
0x80: {  	_ =	shalt  }
0x81: {  	_ =	shalt  }
0x82: {  	_ =	shalt  }
0x83: {  	_ =	shalt  }
0x84: {  	_ =	shalt  }
0x85: {  	_ =	shalt  }
0x86: {  	_ =	shalt  }
0x87: {  	_ =	shalt  }
.Lfunc_end0:
.L_simem_size_0:
called_computation.3_lowered:
.L_overlay_start_0:
0x88: {  	s2 =	sld [smem:$0x3FD9]  }
0x89: {  	s3 =	sld [smem:$0x3FFE];
	_ =	sdelay $0x1  }
0x8a: {  	s1 =	srdreg.scid  }
0x8b: {  	s0 =	sand.u32 $0x1, s1  }
0x8c: {  	s17 =	sshll.u32 s0, $0xA;
	s2 =	sadd.s32 s3, s2  }
0x8d: {  	s2 =	sadd.s32 s2, s17  }
0x8e: {  	[smem:$0x3FBE] =	sst s2  }
0x8f: {  	_ = 	snop  }
0x90: {  	s2 =	sld [smem:$0x3FD0];
	(tm) =	ssettm $0x1  }
0x91: {  	s18 =	sld [smem:$0x3FFB];
	_ =	sdelay $0x3  }
0x92: {  	_ =	strace s18  }
0x93: {  	s3 =	sld [smem:$0x3FFC];
	_ =	sdelay $0x3  }
0x94: {  	_ =	strace s3  }
0x95: {  	s3 =	sld [smem:$0x3FFD];
	_ =	sdelay $0x3  }
0x96: {  	_ =	strace s3  }
0x97: {  	_ =	strace $0x8FFFFFFF  }
0x98: {  	s19 =	sld [smem:$0x3FDB];
	_ =	sdelay $0x1  }
0x99: {  	s4 =	simm.s32 $_scs_section_size  }
0x9a: {  	s5 =	simm.s32 $_size__tile_overlayer_lowered;
	s6 =	simm.s32 $_tile_overlayer_lowered  }
0x9b: {  	s22 =	simm.s32 $0x1BFF;
	s21 =	sshll.u32 s6, $0x1;
	s3 =	sadd.s32 s4, s19  }
0x9c: {  	s7 =	simm.s32 $0x0;
	s20 =	sshll.u32 s5, $0x1;
	s5 =	sadd.s32 s21, s3  }
0x9d: {  	[timem:s7], [sflag:s22] =	dma.local [hbm:s5], s20  }
0x9e: {  	_ =	swait.ge [sflag:s22], s20  }
0x9f: {  	s4 =	ssub.s32 $0x0, s20;
	[sflag:s22] =	ssyncset.done $0x0  }
0xa0: {  	[sflag:s22] =	ssyncadd.s32 s4;
	_ =	sdelay $0x1  }
0xa1: {  	s23 =	simm.s32 $0x1B8B  }
0xa2: {  	_ =	swait.ge [sflag:s23], $0x1  }
0xa3: {  	[sflag:s23] =	ssyncset.done $0x0  }
0xa4: {  	s25 =	simm.s32 $0x1B8E;
	s24 =	sld [smem:$0x3FFE];
	[sflag:s23] =	ssyncadd.s32 $0xFFFFFFFF  }
0xa5: {  	s26 =	simm.s32 $execute0_lowered;
	[smem:$0x3FD2] =	sst s25  }
0xa6: {  	s5 =	sshll.u32 s26, $0x1;
	_ =	strace $0x8000004F;
	[dreg:$0x1] =	wrdreg $0xFFFFFFFF  }
0xa7: {  	s28 =	simm.s32 $_size_execute0_lowered;
	s3 =	sadd.s32 s3, s5;
	[dreg:$0x0] =	wrdreg $0x0  }
0xa8: {  	s5 =	sshll.u32 s28, $0x1;
	[dreg:$0x2] =	wrdreg s3  }
0xa9: {  	[dreg:$0x3] =	wrdreg s5  }
0xaa: {  	[dreg:$0x4] =	wrdreg $0xC0  }
0xab: {  	_ =	task [dreg:s7], $0x5FFFF  }
0xac: {  	[dreg:$0x1] =	wrdreg $0xFFFFFFFF  }
0xad: {  	[dreg:$0x0] =	wrdreg $0x60  }
0xae: {  	[dreg:$0x2] =	wrdreg s2  }
0xaf: {  	[dreg:$0x3] =	wrdreg s24  }
0xb0: {  	[dreg:$0x4] =	wrdreg $0xA8000  }
0xb1: {  	[dreg:$0x5] =	wrdreg $0x9  }
0xb2: {  	_ =	task.clear_ibuf [dreg:s7], $0x6FFFF;
	_ =	strace $0x9000004F  }
0xb3: {  	s29 =	simm.s32 $0x9;
	_ =	strace $0x80000051  }
0xb4: {  	_ =	swait.ge [sflag:s29], $0x1  }
0xb5: {  	[sflag:s29] =	ssyncadd.s32 $0xFFFFFFFF  }
0xb6: {  	_ =	strace $0x90000051  }
0xb7: {  	_ =	sfence  }
0xb8: {  	s30 =	sld [smem:$0x0];
	_ =	sdelay $0x2  }
0xb9: {  	s31 =	sshll.u32 s1, $0xD;
	s1 =	sshrl.u32 s1, $0x2  }
0xba: {  	s3 =	sand.u32 $0x4000, s31;
	s1 =	sadd.s32 s1, s30  }
0xbb: {  	s0 =	sor.u32 s3, s0;
	s1 =	sshll.u32 s1, $0x11  }
0xbc: {  	s0 =	sor.u32 s1, s0  }
0xbd: {  	s0 =	sadd.s32 $0x8F2B, s0  }
0xbe: {  	[sflag:s0] =	ssyncadd.remote.s32 $0x1  }
0xbf: {  	_ =	sfence.sel $0xFFFF  }
0xc0: {  	[dreg:$0x0] =	wrdreg $0xFFFFFFFF;
	(pc) =	sbr.abs _section_cstart, $3  }
0xc1: {  	[dreg:$0x1] =	wrdreg $0xFFFFFFFF  }
0xc2: {  	_ =	task.clear_ibuf [dreg:s7], $0x2FFFF;
	_ =	strace $0x9FFFFFFF  }
0xc3: {  	(tm) =	ssettm $0x7FFFFFFF  }
tec
execute0_lowered:
.L_overlay_start_1:
0x0: {  	(tag) =	ssettag $0x1  }
0x1: {  	s1 =	rddreg [dreg:$0x0]  }
0x2: {  	s6 =	rddreg [dreg:$0x1]  }
0x3: {  	s2 =	rddreg [dreg:$0x2]  }
0x4: {  	s0 =	rddreg [dreg:$0x3];
	s4 =	simm.s32 $0x0;
	s5 =	srdreg.scid  }
0x5: {  	s3 =	stileid.u32;
	s13 =	simm.s32 $0x50;
	s14 =	simm.s32 $0x8000  }
0x6: {  	s15 =	simm.s32 $0x1;
	s16 =	simm.s32 $0x7E00;
	[smem:$0x7FF] =	sst s4  }
0x7: {  	s7 =	sand.u32 $0x1, s5;
	s8 =	sshll.u32 s3, $0xB;
	s29 =	smul.u32 $0x50000, s3  }
0x8: {  	s31 =	sshll.u32 s3, $0x6;
	s18 =	smul.u32 $0x2800, s3;
	s5 =	sshll.u32 s7, $0xF  }
0x9: {  	s9 =	smul.u32 $0x28000, s7;
	_ =	strace $0x80000050;
	s7 =	ssub.s32 $0x2, s7  }
0xa: {  	s5 =	sor.u32 s8, s5;
	s30 =	sshrl.u32 s7, $0x1;
	s8 =	sshrl.u32 s29, $0x2  }
0xb: {  	s10 =	sadd.s32 s5, s6;
	s5 =	sadd.s32 $0x12A00, s6;
	s9 =	sadd.s32 s9, s6  }
0xc: {  	s11 =	ssub.s32 s7, s30;
	s12 =	sadd.s32 s8, s2;
	s6 =	sor.u32 $0x1C02, s31  }
0xd: {  	s7 =	sadd.s32 $0x2A00, s10;
	s8 =	sadd.s32 $0x65200, s10;
	s17 =	sadd.s32 $0x15200, s9  }
0xe: {  	s9 =	smax.u32 s11, $0x1;
	s10 =	sshrl.u32 s12, $0x3;
	s11 =	simm.s32 $0x2  }
0xf: {  	s12 =	simm.s32 $0x4000;
	s17 =	sadd.s32 s18, s17;
	s18 =	simm.s32 $0x0  }
.LBB2_1:
0x10: {  	[spmem:s10], [sflag:s6] =	dma.local [hbm:s5], $0x2800  }
0x11: {  	_ =	swait.ge [sflag:s11], $0x2800  }
0x12: {  	[sflag:s11] =	ssyncset.done $0x0  }
0x13: {  	[sflag:s11] =	ssyncadd.s32 $0xFFFFD800  }
0x14: {  	[tilespmem:s4], [sflag:$0x2] =	stream.linear.gather [hbm4b:s7+s4], $0x3E80, $0x38;
	[tilespmem:$0x1E800] =	vst v63  }
0x15: {  	_ =	swait.ge [sflag:s11], $0x3E80  }
0x16: {  	[sflag:s11] =	ssyncset.done $0x0  }
0x17: {  	[sflag:s11] =	ssyncadd.s32 $0xFFFFC180  }
0x18: {  	[tilespmem:s12], [sflag:$0x2] =	stream.linear.gather [hbm4b:s8+s4], $0x3E80, $0x38;
	[tilespmem:$0x1E800] =	vst v63  }
0x19: {  	_ =	swait.ge [sflag:s11], $0x3E80  }
0x1a: {  	[sflag:s11] =	ssyncset.done $0x0  }
0x1b: {  	[sflag:s11] =	ssyncadd.s32 $0xFFFFC180  }
0x1c: {  	[bflag:$0x0] =	sbarrier.arrive $0xFFFF  }
0x1d: {  	[tilespmem:s14], [sflag:$0x1] =	stream.indirect.gather [hbm4b:s1+s13], $0x80, s4, s13, $0xb8;
	[tilespmem:$0x1E800] =	vst v63  }
0x1e: {  	_ =	swait.ge [sflag:s15], $0x2800  }
0x1f: {  	[sflag:s15] =	ssyncset.done $0x0  }
0x20: {  	s19 =	simm.s32 $0x4000;
	[sflag:s15] =	ssyncadd.s32 $0xFFFFD800  }
0x21: {  	[spmem:s2] =	stream.indirect.scatter.add.f32 [tilespmem:s14], [sflag:$0x2], $0x80, s19, s13, $0xb8;
	[tilespmem:$0x1E800] =	vst v63  }
0x22: {  	_ =	swait.ge [sflag:s11], $0x2800  }
0x23: {  	[sflag:s11] =	ssyncset.done $0x0  }
0x24: {  	s20 =	simm.s32 $0x80;
	s19 =	simm.s32 $0x200;
	[sflag:s11] =	ssyncadd.s32 $0xFFFFD800  }
.LBB2_2:
0x25: {  	[tilespmem:s14], [sflag:$0x1] =	stream.indirect.gather [hbm4b:s1+s13], $0x80, s20, s13, $0xb8;
	[tilespmem:$0x1E800] =	vst v63  }
0x26: {  	s20 =	smov.u32 s19  }
0x27: {  	p0 =	sne.s32 s19, $0xF600;
	s19 =	sadd.s32 $0x200, s19;
	_ =	swait.ge [sflag:s15], $0x2800  }
0x28: {  	s20 =	sshra.s32 s20, $0x2;
	[sflag:s15] =	ssyncset.done $0x0  }
.Ltmp0:
0x29: {  	s21 =	sadd.s32 $0x4000, s20;
	[sflag:s15] =	ssyncadd.s32 $0xFFFFD800;
	(pc) =	sbr.rel @p0 .LBB2_2-.Ltmp0, $4  }
0x2a: {  	[spmem:s2] =	stream.indirect.scatter.add.f32 [tilespmem:s14], [sflag:$0x2], $0x80, s21, s13, $0xb8;
	[tilespmem:$0x1E800] =	vst v63  }
0x2b: {  	_ =	swait.ge [sflag:s11], $0x2800  }
0x2c: {  	[sflag:s11] =	ssyncset.done $0x0  }
0x2d: {  	s20 =	sadd.s32 $0x80, s20;
	[sflag:s11] =	ssyncadd.s32 $0xFFFFD800  }
0x2e: {  	[tilespmem:s14], [sflag:$0x1] =	stream.indirect.gather [hbm4b:s1+s13], $0x80, s20, s13, $0xb8;
	[tilespmem:$0x1E800] =	vst v63  }
0x2f: {  	_ =	swait.ge [sflag:s15], $0x2800  }
0x30: {  	[sflag:s15] =	ssyncset.done $0x0  }
0x31: {  	[sflag:s15] =	ssyncadd.s32 $0xFFFFD800  }
0x32: {  	[spmem:s2] =	stream.indirect.scatter.add.f32 [tilespmem:s14], [sflag:$0x2], $0x80, s16, s13, $0xb8;
	[tilespmem:$0x1E800] =	vst v63  }
0x33: {  	_ =	swait.ge [sflag:s11], $0x2800  }
0x34: {  	s18 =	sadd.s32 $0x1, s18;
	[sflag:s11] =	ssyncset.done $0x0  }
0x35: {  	p0 =	sne.s32 s18, s9;
	[sflag:s11] =	ssyncadd.s32 $0xFFFFD800  }
.Ltmp1:
0x36: {  	[bflag:$0x0] =	sbarrier.arrive $0xFFFF;
	(pc) =	sbr.rel @p0 .LBB2_1-.Ltmp1, $4  }
0x37: {  	[hbm:s17], [sflag:s6] =	dma.local [spmem:s10], $0x2800  }
0x38: {  	_ =	swait.ge [sflag:s11], $0x2800  }
0x39: {  	[sflag:s11] =	ssyncset.done $0x0  }
0x3a: {  	[sflag:s11] =	ssyncadd.s32 $0xFFFFD800  }
0x3b: {  	_ =	sfence.sel $0x180000  }
0x3c: {  	[bflag:$0x0] =	sbarrier.arrive $0xFFFF  }
0x3d: {  	p0 =	sne.s32 s3, $0x0;
	_ =	strace $0x90000050  }
0x3e: {  	s0 =	sadd.s32 @!p0 $0x100000, s0;
	[bflag:$0x2] =	sbarrier.arrive $0xFFFF  }
0x3f: {  	[sflag:s0] =	ssyncadd.tile.s32 @!p0 $0x1;
	_ =	shalt  }
.Lfunc_end2:
_tile_overlayer_lowered:
.L_overlay_start_2:
0x40: {  	(tag) =	ssettag $0x2  }
0x41: {  	s0 =	rddreg [dreg:$0x0];
	s2 =	stileid.u32  }
0x42: {  	s1 =	rddreg [dreg:$0x1];
	p0 =	sne.s32 s2, $0x0  }
0x43: {  	s3 =	rddreg [dreg:$0x2];
	[bflag:$0x3] =	sbarrier.arrive $0xFFFF;
	s2 =	simm.s32 @!p0 $0x1C02  }
0x44: {  	[timem:s3], [sflag:s2] =	dma.local @!p0 [hbm:s0], s1  }
0x45: {  	s0 =	simm.s32 @!p0 $0x2  }
0x46: {  	_ =	swait.ge @!p0 [sflag:s0], s1  }
0x47: {  	s1 =	ssub.s32 @!p0 $0x0, s1;
	[sflag:s0] =	ssyncset.done @!p0 $0x0  }
0x48: {  	[sflag:s0] =	ssyncadd.s32 @!p0 s1  }
0x49: {  	[bflag:$0x3] =	sbarrier.arrive $0xFFFF  }
0x4a: {  	_ =	shalt  }

// kernel: kernel.9.cloned.1.call-start
scs
__scs_entry_jumppad:
0x0: {  	(pc) =	sbr.rel $0x88, $3  }
0x1: {  	(tag) =	ssettag $0x0;
	lr =	simm.s32 $0x1  }
0x2: {  	[smem:$0x3F97] =	sst lr;
	_ =	strace $0xD0000000  }
0x3: {  	_ = 	snop  }
0x4: {  	_ = 	snop  }
0x5: {  	_ = 	snop  }
0x6: {  	_ = 	snop  }
0x7: {  	_ = 	snop  }
__scs_overlays_trampoline_lowered:
0x8: {  	[smem:$0x3FA6] =	sst s0  }
0x9: {  	[smem:$0x3FA7] =	sst s1  }
0xa: {  	[smem:$0x3FA8] =	sst s2  }
0xb: {  	[smem:$0x3FA9] =	sst s3  }
0xc: {  	[smem:$0x3FAA] =	sst s4  }
0xd: {  	[smem:$0x3FAB] =	sst s5  }
0xe: {  	[smem:$0x3FAC] =	sst s6  }
0xf: {  	[smem:$0x3FAD] =	sst s7  }
0x10: {  	[smem:$0x3FAE] =	sst s8  }
0x11: {  	[smem:$0x3FAF] =	sst s9;
	s0 =	simm.s32 @!p0 $0x0  }
0x12: {  	s1 =	sld [smem:$0x3F95];
	s0 =	simm.s32 @p0 $0x1  }
0x13: {  	[smem:$0x3FB0] =	sst s0;
	s0 =	simm.s32 @!p1 $0x0  }
0x14: {  	s2 =	sld [smem:$0x3F94];
	s0 =	simm.s32 @p1 $0x1  }
0x15: {  	[smem:$0x3FB1] =	sst s0;
	s0 =	simm.s32 @!p2 $0x0  }
0x16: {  	s3 =	sld [smem:$0x3FDB];
	s0 =	simm.s32 @p2 $0x1  }
0x17: {  	s4 =	simm.s32 $0x1BF5;
	[smem:$0x3FB3] =	sst s0  }
0x18: {  	s0 =	sld [smem:$0x3F96];
	_ =	swait.ge [sflag:s4], $0x0  }
0x19: {  	s7 =	sld [smem:$0x3F97]  }
0x1a: {  	s8 =	sadd.s32 $0xFFFFE003, lr  }
0x1b: {  	s9 =	sadd.s32 $0xFFFFFEF7, lr;
	s5 =	simm.s32 $0xFFFFFFFF;
	p2 =	slt.u32 s8, $0xFFFFF086  }
0x1c: {  	p1 =	slt.u32 s9, $0xF7A;
	s5 =	simm.s32 @!p2 $0x0  }
0x1d: {  	s5 =	simm.s32 @p1 $0x1;
	p0 =	seq.s32 s7, s2  }
0x1e: {  	s7 =	smul.u32 @!p0 $0xF7A, s2;
	p2 =	seq.s32 @!p0 s5, $0x0  }
0x1f: {  	s9 =	smul.u32 $0xF7A, s1;
	s8 =	simm.s32 @!p0 $0x1BF5;
	p2 =	por !p2, p0  }
0x20: {  	[sflag:s8] =	ssyncset.s32 @!p0 $0xFFFFF086;
	s6 =	sadd.s32 @!p0 s3, s7;
	s7 =	simm.s32 @!p0 $0x108  }
0x21: {  	s3 =	sadd.s32 s3, s9;
	s6 =	sadd.s32 @!p0 $0x88, s6;
	s7 =	simm.s32 @p2 $0x1082  }
0x22: {  	[simem:s7], [sflag:s8] =	dma.local @!p0 [hbm:s6], $0xF7A  }
0x23: {  	s9 =	sor.u32 $0xD0000000, s2;
	s6 =	simm.s32 $0x108;
	_ =	swait.ge @!p0 [sflag:s8], $0x0  }
0x24: {  	s3 =	sadd.s32 $0x88, s3;
	s6 =	simm.s32 @!p1 $0x1082;
	[sflag:s4] =	ssyncset.s32 $0xFFFFF086  }
0x25: {  	[simem:s6], [sflag:s4] =	dma.local [hbm:s3], $0xF7A  }
0x26: {  	[smem:$0x3F97] =	sst s1;
	(tag) =	ssettag s2;
	_ =	strace s9  }
0x27: {  	s1 =	sld [smem:$0x3FA7]  }
0x28: {  	s2 =	sld [smem:$0x3FA8]  }
0x29: {  	s4 =	sld [smem:$0x3FAA]  }
0x2a: {  	p0 =	seq.s32 s5, $0x0;
	s5 =	sld [smem:$0x3FAB]  }
0x2b: {  	s6 =	sld [smem:$0x3FAC]  }
0x2c: {  	s7 =	sld [smem:$0x3FAD]  }
0x2d: {  	s3 =	simm.s32 $0x108;
	s8 =	sld [smem:$0x3FAE]  }
0x2e: {  	s3 =	simm.s32 @!p0 $0x1082;
	s9 =	sld [smem:$0x3FAF]  }
0x2f: {  	lr =	sadd.s32 s0, s3;
	s0 =	sld [smem:$0x3FA6]  }
0x30: {  	s3 =	sld [smem:$0x3FA9]  }
0x31: {  	[smem:$0x3FB2] =	sst s10  }
0x32: {  	s10 =	sld [smem:$0x3FB0];
	_ =	sdelay $0x3  }
0x33: {  	p0 =	seq.s32 s10, $0x1;
	s10 =	sld [smem:$0x3FB2];
	_ =	sdelay $0x3  }
0x34: {  	[smem:$0x3FB2] =	sst s10  }
0x35: {  	s10 =	sld [smem:$0x3FB1];
	_ =	sdelay $0x3  }
0x36: {  	p1 =	seq.s32 s10, $0x1;
	s10 =	sld [smem:$0x3FB2];
	_ =	sdelay $0x3  }
0x37: {  	[smem:$0x3FB2] =	sst s10  }
0x38: {  	s10 =	sld [smem:$0x3FB3]  }
0x39: {  	_ = 	snop;
	(pc) =	sbr.ind lr, $3  }
0x3a: {  	_ = 	snop  }
0x3b: {  	_ = 	snop  }
0x3c: {  	p2 =	seq.s32 s10, $0x1;
	s10 =	sld [smem:$0x3FB2]  }
0x3d: {  	_ =	shalt  }
0x3e: {  	_ =	shalt  }
0x3f: {  	_ =	shalt  }
0x40: {  	_ =	shalt  }
0x41: {  	_ =	shalt  }
0x42: {  	_ =	shalt  }
0x43: {  	_ =	shalt  }
0x44: {  	_ =	shalt  }
0x45: {  	_ =	shalt  }
0x46: {  	_ =	shalt  }
0x47: {  	_ =	shalt  }
0x48: {  	_ =	shalt  }
0x49: {  	_ =	shalt  }
0x4a: {  	_ =	shalt  }
0x4b: {  	_ =	shalt  }
0x4c: {  	_ =	shalt  }
0x4d: {  	_ =	shalt  }
0x4e: {  	_ =	shalt  }
0x4f: {  	_ =	shalt  }
0x50: {  	_ =	shalt  }
0x51: {  	_ =	shalt  }
0x52: {  	_ =	shalt  }
0x53: {  	_ =	shalt  }
0x54: {  	_ =	shalt  }
0x55: {  	_ =	shalt  }
0x56: {  	_ =	shalt  }
0x57: {  	_ =	shalt  }
0x58: {  	_ =	shalt  }
0x59: {  	_ =	shalt  }
0x5a: {  	_ =	shalt  }
0x5b: {  	_ =	shalt  }
0x5c: {  	_ =	shalt  }
0x5d: {  	_ =	shalt  }
0x5e: {  	_ =	shalt  }
0x5f: {  	_ =	shalt  }
0x60: {  	_ =	shalt  }
0x61: {  	_ =	shalt  }
0x62: {  	_ =	shalt  }
0x63: {  	_ =	shalt  }
0x64: {  	_ =	shalt  }
0x65: {  	_ =	shalt  }
0x66: {  	_ =	shalt  }
0x67: {  	_ =	shalt  }
0x68: {  	_ =	shalt  }
0x69: {  	_ =	shalt  }
0x6a: {  	_ =	shalt  }
0x6b: {  	_ =	shalt  }
0x6c: {  	_ =	shalt  }
0x6d: {  	_ =	shalt  }
0x6e: {  	_ =	shalt  }
0x6f: {  	_ =	shalt  }
0x70: {  	_ =	shalt  }
0x71: {  	_ =	shalt  }
0x72: {  	_ =	shalt  }
0x73: {  	_ =	shalt  }
0x74: {  	_ =	shalt  }
0x75: {  	_ =	shalt  }
0x76: {  	_ =	shalt  }
0x77: {  	_ =	shalt  }
0x78: {  	_ =	shalt  }
0x79: {  	_ =	shalt  }
0x7a: {  	_ =	shalt  }
0x7b: {  	_ =	shalt  }
0x7c: {  	_ =	shalt  }
0x7d: {  	_ =	shalt  }
0x7e: {  	_ =	shalt  }
0x7f: {  	_ =	shalt  }
0x80: {  	_ =	shalt  }
0x81: {  	_ =	shalt  }
0x82: {  	_ =	shalt  }
0x83: {  	_ =	shalt  }
0x84: {  	_ =	shalt  }
0x85: {  	_ =	shalt  }
0x86: {  	_ =	shalt  }
0x87: {  	_ =	shalt  }
.Lfunc_end0:
.L_simem_size_0:
called_computation_lowered:
.L_overlay_start_0:
0x88: {  	s2 =	sld [smem:$0x3FD9]  }
0x89: {  	s3 =	sld [smem:$0x3FFE];
	_ =	sdelay $0x1  }
0x8a: {  	s1 =	srdreg.scid  }
0x8b: {  	s0 =	sand.u32 $0x1, s1  }
0x8c: {  	s17 =	sshll.u32 s0, $0xA;
	s2 =	sadd.s32 s3, s2  }
0x8d: {  	s2 =	sadd.s32 s2, s17  }
0x8e: {  	[smem:$0x3FBE] =	sst s2  }
0x8f: {  	_ = 	snop  }
0x90: {  	s2 =	sld [smem:$0x3FD0];
	(tm) =	ssettm $0x1  }
0x91: {  	s18 =	sld [smem:$0x3FFB];
	_ =	sdelay $0x3  }
0x92: {  	_ =	strace s18  }
0x93: {  	s3 =	sld [smem:$0x3FFC];
	_ =	sdelay $0x3  }
0x94: {  	_ =	strace s3  }
0x95: {  	s3 =	sld [smem:$0x3FFD];
	_ =	sdelay $0x3  }
0x96: {  	_ =	strace s3  }
0x97: {  	_ =	strace $0x8FFFFFFF  }
0x98: {  	s19 =	sld [smem:$0x3FDB];
	_ =	sdelay $0x1  }
0x99: {  	s4 =	simm.s32 $_scs_section_size  }
0x9a: {  	s5 =	simm.s32 $_size__tile_overlayer_lowered;
	s6 =	simm.s32 $_tile_overlayer_lowered  }
0x9b: {  	s22 =	simm.s32 $0x1BFF;
	s21 =	sshll.u32 s6, $0x1;
	s3 =	sadd.s32 s4, s19  }
0x9c: {  	s7 =	simm.s32 $0x0;
	s20 =	sshll.u32 s5, $0x1;
	s5 =	sadd.s32 s21, s3  }
0x9d: {  	[timem:s7], [sflag:s22] =	dma.local [hbm:s5], s20  }
0x9e: {  	_ =	swait.ge [sflag:s22], s20  }
0x9f: {  	s4 =	ssub.s32 $0x0, s20;
	[sflag:s22] =	ssyncset.done $0x0  }
0xa0: {  	[sflag:s22] =	ssyncadd.s32 s4;
	_ =	sdelay $0x1  }
0xa1: {  	s23 =	simm.s32 $0x1B8B  }
0xa2: {  	_ =	swait.ge [sflag:s23], $0x1  }
0xa3: {  	[sflag:s23] =	ssyncset.done $0x0  }
0xa4: {  	s25 =	simm.s32 $0x1B8E;
	s24 =	sld [smem:$0x3FFE];
	[sflag:s23] =	ssyncadd.s32 $0xFFFFFFFF  }
0xa5: {  	s26 =	simm.s32 $execute0_lowered;
	[smem:$0x3FD2] =	sst s25  }
0xa6: {  	s5 =	sshll.u32 s26, $0x1;
	_ =	strace $0x80000046;
	[dreg:$0x1] =	wrdreg $0xFFFFFFFF  }
0xa7: {  	s28 =	simm.s32 $_size_execute0_lowered;
	s3 =	sadd.s32 s3, s5;
	[dreg:$0x0] =	wrdreg $0x0  }
0xa8: {  	s5 =	sshll.u32 s28, $0x1;
	[dreg:$0x2] =	wrdreg s3  }
0xa9: {  	[dreg:$0x3] =	wrdreg s5  }
0xaa: {  	[dreg:$0x4] =	wrdreg $0xC0  }
0xab: {  	_ =	task [dreg:s7], $0x5FFFF  }
0xac: {  	[dreg:$0x1] =	wrdreg $0xFFFFFFFF  }
0xad: {  	[dreg:$0x0] =	wrdreg $0x60  }
0xae: {  	[dreg:$0x2] =	wrdreg s2  }
0xaf: {  	[dreg:$0x3] =	wrdreg s24  }
0xb0: {  	[dreg:$0x4] =	wrdreg $0xA8000  }
0xb1: {  	[dreg:$0x5] =	wrdreg $0xA  }
0xb2: {  	_ =	task.clear_ibuf [dreg:s7], $0x6FFFF;
	_ =	strace $0x90000046  }
0xb3: {  	s29 =	simm.s32 $0xA;
	_ =	strace $0x80000048  }
0xb4: {  	_ =	swait.ge [sflag:s29], $0x1  }
0xb5: {  	[sflag:s29] =	ssyncadd.s32 $0xFFFFFFFF  }
0xb6: {  	_ =	strace $0x90000048  }
0xb7: {  	_ =	sfence  }
0xb8: {  	s30 =	sld [smem:$0x0];
	_ =	sdelay $0x2  }
0xb9: {  	s31 =	sshll.u32 s1, $0xD;
	s1 =	sshrl.u32 s1, $0x2  }
0xba: {  	s3 =	sand.u32 $0x4000, s31;
	s1 =	sadd.s32 s1, s30  }
0xbb: {  	s0 =	sor.u32 s3, s0;
	s1 =	sshll.u32 s1, $0x11  }
0xbc: {  	s0 =	sor.u32 s1, s0  }
0xbd: {  	s0 =	sadd.s32 $0x8F2B, s0  }
0xbe: {  	[sflag:s0] =	ssyncadd.remote.s32 $0x1  }
0xbf: {  	_ =	sfence.sel $0xFFFF  }
0xc0: {  	[dreg:$0x0] =	wrdreg $0xFFFFFFFF;
	(pc) =	sbr.abs _section_cstart, $3  }
0xc1: {  	[dreg:$0x1] =	wrdreg $0xFFFFFFFF  }
0xc2: {  	_ =	task.clear_ibuf [dreg:s7], $0x2FFFF;
	_ =	strace $0x9FFFFFFF  }
0xc3: {  	(tm) =	ssettm $0x7FFFFFFF  }
tec
execute0_lowered:
.L_overlay_start_1:
0x0: {  	(tag) =	ssettag $0x1  }
0x1: {  	s1 =	rddreg [dreg:$0x0]  }
0x2: {  	s6 =	rddreg [dreg:$0x1]  }
0x3: {  	s3 =	rddreg [dreg:$0x2]  }
0x4: {  	s0 =	rddreg [dreg:$0x3];
	s4 =	simm.s32 $0x0  }
0x5: {  	s2 =	stileid.u32;
	s5 =	srdreg.scid;
	s13 =	simm.s32 $0x8000  }
0x6: {  	s14 =	simm.s32 $0x1;
	s15 =	simm.s32 $0x7E00;
	[smem:$0x7FF] =	sst s4  }
0x7: {  	s7 =	sshll.u32 s2, $0xB;
	s8 =	sand.u32 $0x1, s5;
	s12 =	smul.u32 $0x50000, s2  }
0x8: {  	s5 =	sadd.s32 $0x12A00, s6;
	s31 =	sshll.u32 s2, $0x6;
	s17 =	smul.u32 $0x2800, s2  }
0x9: {  	_ =	strace $0x80000047;
	s9 =	smul.u32 $0x28000, s8;
	s10 =	ssub.s32 $0x2, s8  }
0xa: {  	s7 =	sadd.s32 s7, s6;
	s29 =	sshll.u32 s8, $0xF;
	s11 =	sshrl.u32 s10, $0x1  }
0xb: {  	s30 =	sshrl.u32 s12, $0x2;
	s7 =	sadd.s32 s29, s7;
	s9 =	sadd.s32 s9, s6  }
0xc: {  	s10 =	ssub.s32 s10, s11;
	s12 =	sadd.s32 s30, s3;
	s6 =	sor.u32 $0x1C02, s31  }
0xd: {  	s7 =	sadd.s32 $0x2A00, s7;
	s11 =	simm.s32 $0x4000;
	s16 =	sadd.s32 $0x15200, s9  }
0xe: {  	s8 =	smax.u32 s10, $0x1;
	s9 =	sshrl.u32 s12, $0x3;
	s10 =	simm.s32 $0x2  }
0xf: {  	s12 =	simm.s32 $0x50;
	s16 =	sadd.s32 s17, s16;
	s17 =	simm.s32 $0x0  }
.LBB2_1:
0x10: {  	[spmem:s9], [sflag:s6] =	dma.local [hbm:s5], $0x2800  }
0x11: {  	_ =	swait.ge [sflag:s10], $0x2800  }
0x12: {  	[sflag:s10] =	ssyncset.done $0x0  }
0x13: {  	[sflag:s10] =	ssyncadd.s32 $0xFFFFD800  }
0x14: {  	[tilespmem:s4], [sflag:$0x2] =	stream.linear.gather [hbm4b:s7+s4], $0x3E80, $0x38;
	[tilespmem:$0x1E800] =	vst v63  }
0x15: {  	_ =	swait.ge [sflag:s10], $0x3E80  }
0x16: {  	[sflag:s10] =	ssyncset.done $0x0  }
0x17: {  	[sflag:s10] =	ssyncadd.s32 $0xFFFFC180  }
0x18: {  	[tilespmem:s11], [sflag:$0x2] =	stream.linear.gather [hbm4b:s7+s4], $0x3E80, $0x38;
	[tilespmem:$0x1E800] =	vst v63  }
0x19: {  	_ =	swait.ge [sflag:s10], $0x3E80  }
0x1a: {  	[sflag:s10] =	ssyncset.done $0x0  }
0x1b: {  	[sflag:s10] =	ssyncadd.s32 $0xFFFFC180  }
0x1c: {  	[bflag:$0x0] =	sbarrier.arrive $0xFFFF  }
0x1d: {  	[tilespmem:s13], [sflag:$0x1] =	stream.indirect.gather [hbm4b:s1+s12], $0x80, s4, s12, $0xb8;
	[tilespmem:$0x1E800] =	vst v63  }
0x1e: {  	_ =	swait.ge [sflag:s14], $0x2800  }
0x1f: {  	[sflag:s14] =	ssyncset.done $0x0  }
0x20: {  	s18 =	simm.s32 $0x4000;
	[sflag:s14] =	ssyncadd.s32 $0xFFFFD800  }
0x21: {  	[spmem:s3] =	stream.indirect.scatter.add.f32 [tilespmem:s13], [sflag:$0x2], $0x80, s18, s12, $0xb8;
	[tilespmem:$0x1E800] =	vst v63  }
0x22: {  	_ =	swait.ge [sflag:s10], $0x2800  }
0x23: {  	[sflag:s10] =	ssyncset.done $0x0  }
0x24: {  	s19 =	simm.s32 $0x80;
	s18 =	simm.s32 $0x200;
	[sflag:s10] =	ssyncadd.s32 $0xFFFFD800  }
.LBB2_2:
0x25: {  	[tilespmem:s13], [sflag:$0x1] =	stream.indirect.gather [hbm4b:s1+s12], $0x80, s19, s12, $0xb8;
	[tilespmem:$0x1E800] =	vst v63  }
0x26: {  	s19 =	smov.u32 s18  }
0x27: {  	p0 =	sne.s32 s18, $0xF600;
	s18 =	sadd.s32 $0x200, s18;
	_ =	swait.ge [sflag:s14], $0x2800  }
0x28: {  	s19 =	sshra.s32 s19, $0x2;
	[sflag:s14] =	ssyncset.done $0x0  }
.Ltmp0:
0x29: {  	s20 =	sadd.s32 $0x4000, s19;
	[sflag:s14] =	ssyncadd.s32 $0xFFFFD800;
	(pc) =	sbr.rel @p0 .LBB2_2-.Ltmp0, $4  }
0x2a: {  	[spmem:s3] =	stream.indirect.scatter.add.f32 [tilespmem:s13], [sflag:$0x2], $0x80, s20, s12, $0xb8;
	[tilespmem:$0x1E800] =	vst v63  }
0x2b: {  	_ =	swait.ge [sflag:s10], $0x2800  }
0x2c: {  	[sflag:s10] =	ssyncset.done $0x0  }
0x2d: {  	s19 =	sadd.s32 $0x80, s19;
	[sflag:s10] =	ssyncadd.s32 $0xFFFFD800  }
0x2e: {  	[tilespmem:s13], [sflag:$0x1] =	stream.indirect.gather [hbm4b:s1+s12], $0x80, s19, s12, $0xb8;
	[tilespmem:$0x1E800] =	vst v63  }
0x2f: {  	_ =	swait.ge [sflag:s14], $0x2800  }
0x30: {  	[sflag:s14] =	ssyncset.done $0x0  }
0x31: {  	[sflag:s14] =	ssyncadd.s32 $0xFFFFD800  }
0x32: {  	[spmem:s3] =	stream.indirect.scatter.add.f32 [tilespmem:s13], [sflag:$0x2], $0x80, s15, s12, $0xb8;
	[tilespmem:$0x1E800] =	vst v63  }
0x33: {  	_ =	swait.ge [sflag:s10], $0x2800  }
0x34: {  	s17 =	sadd.s32 $0x1, s17;
	[sflag:s10] =	ssyncset.done $0x0  }
0x35: {  	p0 =	sne.s32 s17, s8;
	[sflag:s10] =	ssyncadd.s32 $0xFFFFD800  }
.Ltmp1:
0x36: {  	[bflag:$0x0] =	sbarrier.arrive $0xFFFF;
	(pc) =	sbr.rel @p0 .LBB2_1-.Ltmp1, $4  }
0x37: {  	[hbm:s16], [sflag:s6] =	dma.local [spmem:s9], $0x2800  }
0x38: {  	_ =	swait.ge [sflag:s10], $0x2800  }
0x39: {  	[sflag:s10] =	ssyncset.done $0x0  }
0x3a: {  	[sflag:s10] =	ssyncadd.s32 $0xFFFFD800  }
0x3b: {  	_ =	sfence.sel $0x180000  }
0x3c: {  	[bflag:$0x0] =	sbarrier.arrive $0xFFFF  }
0x3d: {  	p0 =	sne.s32 s2, $0x0;
	_ =	strace $0x90000047  }
0x3e: {  	s0 =	sadd.s32 @!p0 $0x100000, s0;
	[bflag:$0x2] =	sbarrier.arrive $0xFFFF  }
0x3f: {  	[sflag:s0] =	ssyncadd.tile.s32 @!p0 $0x1;
	_ =	shalt  }
.Lfunc_end2:
_tile_overlayer_lowered:
.L_overlay_start_2:
0x40: {  	(tag) =	ssettag $0x2  }
0x41: {  	s0 =	rddreg [dreg:$0x0];
	s2 =	stileid.u32  }
0x42: {  	s1 =	rddreg [dreg:$0x1];
	p0 =	sne.s32 s2, $0x0  }
0x43: {  	s3 =	rddreg [dreg:$0x2];
	[bflag:$0x3] =	sbarrier.arrive $0xFFFF;
	s2 =	simm.s32 @!p0 $0x1C02  }
0x44: {  	[timem:s3], [sflag:s2] =	dma.local @!p0 [hbm:s0], s1  }
0x45: {  	s0 =	simm.s32 @!p0 $0x2  }
0x46: {  	_ =	swait.ge @!p0 [sflag:s0], s1  }
0x47: {  	s1 =	ssub.s32 @!p0 $0x0, s1;
	[sflag:s0] =	ssyncset.done @!p0 $0x0  }
0x48: {  	[sflag:s0] =	ssyncadd.s32 @!p0 s1  }
0x49: {  	[bflag:$0x3] =	sbarrier.arrive $0xFFFF  }
0x4a: {  	_ =	shalt  }

</sc_bundles>
